<compile_context>
chip_gen: v7x
topology: tpu7x:2x2x1
jax: 0.10.2.dev20260603
libtpu: 0.0.44.dev20260713+nightly
codegen_flags: <defaults>
</compile_context>

<pallas_src>
import functools

import jax
import jax.numpy as jnp
from jax import lax
from jax.experimental import pallas as pl
from jax.experimental.pallas import tpu as pltpu
from jax.experimental.pallas import tpu_sc as plsc

N = 10000
E = 160000
D = 256

NC = 2
NS = 16
L = 16
NW = NC * NS
NPT = (N + NW - 1) // NW
NPAD = NPT * NW

C = 3200
NCHUNKS = E // C
G = 32
SENTINEL = 3.0e38

_mesh = plsc.VectorSubcoreMesh(
    core_axis_name="c", subcore_axis_name="s", num_cores=NC, num_subcores=NS
)


@functools.partial(
    pl.kernel,
    out_type=jax.ShapeDtypeStruct((NPAD * D // 2,), jnp.int32),
    mesh=_mesh,
    scratch_types=[
        pltpu.VMEM((NPT * D // 2,), jnp.int32),
        pltpu.VMEM((C,), jnp.int32),
        pltpu.VMEM((C,), jnp.int32),
        pltpu.VMEM((C + L,), jnp.int32),
        pltpu.VMEM((C + L,), jnp.int32),
        pltpu.VMEM((2, G, D // 2), jnp.int32),
        pltpu.SemaphoreType.DMA,
        pltpu.SemaphoreType.DMA,
    ],
    compiler_params=pltpu.CompilerParams(needs_layout_passes=False),
)
def _segmin_kernel(e_hbm, xsrc_hbm, out_hbm, acc, srcb, dstb, csrc, cdst, rows,
                   semA, semB):
    wid = lax.axis_index("s") * NC + lax.axis_index("c")
    lo = wid * NPT

    big = plsc.bitcast(jnp.full((2 * L,), SENTINEL, dtype=jnp.bfloat16),
                       jnp.int32)

    def init_acc(i, carry):
        acc[pl.ds(i * L, L)] = big
        return carry

    lax.fori_loop(0, NPT * D // (2 * L), init_acc, 0)

    zero = jnp.zeros((L,), dtype=jnp.int32)

    def init_csrc(i, carry):
        csrc[pl.ds(i * L, L)] = zero
        return carry

    lax.fori_loop(0, (C + L) // L, init_csrc, 0)

    def chunk_body(ci, carry):
        off = ci * C
        pltpu.sync_copy(e_hbm.at[pl.ds(off, C)], srcb)
        pltpu.sync_copy(e_hbm.at[pl.ds(E + off, C)], dstb)

        def scan_body(i, cnt):
            d = dstb[pl.ds(i * L, L)]
            s = srcb[pl.ds(i * L, L)]
            dl = d - lo
            mask = (dl >= 0) & (dl < NPT)
            csum = plsc.cumsum(jnp.where(mask, 1, 0))
            pos = cnt + csum - 1
            plsc.store_scatter(csrc, [pos], s, mask=mask)
            plsc.store_scatter(cdst, [pos], dl, mask=mask)
            return cnt + csum[L - 1]

        cnt = lax.fori_loop(0, C // L, scan_body, 0)

        nb = (cnt + G - 1) // G

        def _issue(g, buf, sem_):
            pltpu.async_copy(xsrc_hbm.at[csrc.at[pl.ds(g * G, G)]],
                             rows.at[buf], sem_)

        def _wait(g, buf, sem_):
            pltpu.make_async_copy(xsrc_hbm.at[csrc.at[pl.ds(g * G, G)]],
                                  rows.at[buf], sem_).wait()

        @pl.when(nb > 0)
        def _prologue():
            _issue(0, 0, semA)

        def gather_body(g, carry2):
            lim = cnt - g * G

            def _apply_from(buf):
                def edge_body(j, carry3):
                    @pl.when(j < lim)
                    def _apply():
                        ldst = cdst[pl.ds(g * G + j, L)][0]
                        base = ldst * (D // 2)
                        for cc in range(D // (2 * L)):
                            v = plsc.bitcast(
                                rows[buf, j, pl.ds(cc * L, L)], jnp.bfloat16)
                            sl = pl.ds(base + cc * L, L)
                            a = plsc.bitcast(acc[sl], jnp.bfloat16)
                            acc[sl] = plsc.bitcast(jnp.minimum(a, v),
                                                   jnp.int32)

                    return carry3

                lax.fori_loop(0, G, edge_body, 0)

            @pl.when(g % 2 == 0)
            def _even():
                _wait(g, 0, semA)

                @pl.when(g + 1 < nb)
                def _():
                    _issue(g + 1, 1, semB)

                _apply_from(0)

            @pl.when(g % 2 == 1)
            def _odd():
                _wait(g, 1, semB)

                @pl.when(g + 1 < nb)
                def _():
                    _issue(g + 1, 0, semA)

                _apply_from(1)

            return carry2

        lax.fori_loop(0, nb, gather_body, 0)
        return carry

    lax.fori_loop(0, NCHUNKS, chunk_body, 0)

    pltpu.sync_copy(acc, out_hbm.at[pl.ds(lo * (D // 2), NPT * D // 2)])


BN = 400


def _mlp_body(xd_ref, m_ref, w_ref, b_ref, out_ref):
    xd = xd_ref[...]
    m = m_ref[...].astype(jnp.float32)
    maxes = jnp.where(m > 1e38, 0.0, xd - m)
    w1 = w_ref[:, :D]
    w2 = w_ref[:, D:]
    h = lax.dot_general(xd, w1, (((1,), (1,)), ((), ())),
                        preferred_element_type=jnp.float32)
    h = h + lax.dot_general(maxes, w2, (((1,), (1,)), ((), ())),
                            preferred_element_type=jnp.float32)
    h = h + b_ref[...]
    h = jnp.where(h >= 0, h, 0.01 * h)
    out_ref[...] = xd + h


def kernel(x_src, x_dst, e, W, b):
    xsrc_packed = lax.bitcast_convert_type(
        x_src.astype(jnp.bfloat16).reshape(N, D // 2, 2), jnp.int32)
    m_packed = _segmin_kernel(e.reshape(-1), xsrc_packed)
    m = lax.bitcast_convert_type(m_packed, jnp.bfloat16).reshape(NPAD, D)[:N]

    out = pl.pallas_call(
        _mlp_body,
        grid=(N // BN,),
        in_specs=[
            pl.BlockSpec((BN, D), lambda i: (i, 0)),
            pl.BlockSpec((BN, D), lambda i: (i, 0)),
            pl.BlockSpec((D, 2 * D), lambda i: (0, 0)),
            pl.BlockSpec((1, D), lambda i: (0, 0)),
        ],
        out_specs=pl.BlockSpec((BN, D), lambda i: (i, 0)),
        out_shape=jax.ShapeDtypeStruct((N, D), jnp.float32),
    )(x_dst, m, W, b.reshape(1, D))
    return out

# --- scband reference (transcript-rebuilt; emitter-appended) ---
"""Pipeline reference for scband-bipartite-res-mrconv-36550171689224 (READ-ONLY COPY).

The authoritative reference and input builder live on the scoring server;
editing this copy changes nothing except your own understanding.
"""

import jax, jax.numpy as jnp
import numpy as np

N = 10000
E = 160000
D = 256

def setup_inputs(seed: int = 0) -> dict:
    key = jax.random.key(seed)
    k1, k2, k3, k4, k5 = jax.random.split(key, 5)
    x_src = jax.random.normal(k1, (N, D), dtype=jnp.float32)
    x_dst = jax.random.normal(k2, (N, D), dtype=jnp.float32)
    e = jax.random.randint(k3, (2, E), 0, N, dtype=jnp.int32)
    # mlp: Linear(2*D -> D) followed by LeakyReLU (torch default negative_slope=0.01)
    W = jax.random.normal(k4, (D, 2 * D), dtype=jnp.float32) * 0.02  # torch Linear weight [out, in]
    b = jax.random.normal(k5, (D,), dtype=jnp.float32) * 0.02
    return {"x_src": x_src, "x_dst": x_dst, "e": e, "W": W, "b": b}

def reference(x_src, x_dst, e, W, b):
    src_idx = e[0]
    dst_idx = e[1]
    diffs = jnp.take(x_dst, dst_idx, axis=0) - jnp.take(x_src, src_idx, axis=0)
    # scatter_reduce amax with -inf init == segment_max (identity -inf for empty segments)
    maxes = jax.ops.segment_max(diffs, dst_idx, num_segments=x_dst.shape[0])
    maxes = jnp.nan_to_num(maxes, neginf=0.0, posinf=0.0)
    h = jnp.concatenate([x_dst, maxes], axis=1)
    h = h @ W.T + b
    h = jnp.where(h >= 0, h, 0.01 * h)  # LeakyReLU
    return x_dst + h

if __name__ == "__main__":
    import jax
    _d = setup_inputs()
    print(jax.jit(kernel)(*tuple(_d.values())))

</pallas_src>

<mosaic_0001>
#map = affine_map<(d0, d1) -> (0)>
#map1 = affine_map<(d0, d1) -> (0, 0)>
module attributes {stable_mosaic.version = 14 : i64} {
  func.func @_segmin_kernel(%arg0: i32, %arg1: i32, %arg2: memref<320000xi32, #tpu.memory_space<hbm>>, %arg3: memref<10000x128xi32, #tpu.memory_space<hbm>>, %arg4: memref<1282048xi32, #tpu.memory_space<hbm>>, %arg5: memref<40064xi32, #tpu.memory_space<vmem>>, %arg6: memref<3200xi32, #tpu.memory_space<vmem>>, %arg7: memref<3200xi32, #tpu.memory_space<vmem>>, %arg8: memref<3216xi32, #tpu.memory_space<vmem>>, %arg9: memref<3216xi32, #tpu.memory_space<vmem>>, %arg10: memref<2x32x128xi32, #tpu.memory_space<vmem>>, %arg11: memref<!tpu.dma_semaphore, #tpu.memory_space<semaphore_mem>>, %arg12: memref<!tpu.dma_semaphore, #tpu.memory_space<semaphore_mem>>) attributes {dimension_semantics = [#tpu.dimension_semantics<core_parallel>, #tpu.dimension_semantics<subcore_parallel>], iteration_bounds = array<i64: 2, 16>, scalar_prefetch = 0 : i64, scratch_operands = 8 : i64, tpu.core_type = #tpu.core_type<sc_vector_subcore>, window_params = [{transform_indices = #map}, {transform_indices = #map1}, {transform_indices = #map}]} {
    %mul3A = arith.constant 2 : i32
    %mul3A_0 = arith.muli %arg1, %mul3A : i32
    %add3A = arith.addi %mul3A_0, %arg0 : i32
    %mul3A_1 = arith.constant 313 : i32
    %mul3A_2 = arith.muli %add3A, %mul3A_1 : i32
    %broadcast_in_dim3A = arith.constant 3.004060e+38 : bf16
    %broadcast_in_dim3A_3 = vector.broadcast %broadcast_in_dim3A : bf16 to vector<32xbf16>
    %bitcast3A = vector.bitcast %broadcast_in_dim3A_3 : vector<32xbf16> to vector<16xi32>
    %scan3A = arith.constant 0 : i32
    %scan3A_4 = arith.constant 0 : i32
    %scan3A_5 = arith.constant 2504 : i32
    %scan3A_6 = arith.addi %scan3A_4, %scan3A_5 : i32
    %scan3A_7 = arith.constant 1 : i32
    scf.for %scan3A_25 = %scan3A_4 to %scan3A_6 step %scan3A_7  : i32 {
      %mul3A_26 = arith.constant 16 : i32
      %mul3A_27 = arith.muli %scan3A_25, %mul3A_26 : i32
      %swap3A = arith.index_cast %mul3A_27 : i32 to index
      %swap3A_28 = tpu.vector_load %arg5[%swap3A] {strides = array<i32>} : memref<40064xi32, #tpu.memory_space<vmem>>, vector<16xi32>,
      tpu.vector_store %arg5[%swap3A], %bitcast3A {strides = array<i32>} : memref<40064xi32, #tpu.memory_space<vmem>>, vector<16xi32>,
    }
    %scan3A_8 = arith.constant 2504 : i32
    %broadcast_in_dim3A_9 = arith.constant 0 : i32
    %broadcast_in_dim3A_10 = vector.broadcast %broadcast_in_dim3A_9 : i32 to vector<16xi32>
    %scan3A_11 = arith.constant 0 : i32
    %scan3A_12 = arith.constant 0 : i32
    %scan3A_13 = arith.constant 201 : i32
    %scan3A_14 = arith.addi %scan3A_12, %scan3A_13 : i32
    %scan3A_15 = arith.constant 1 : i32
    scf.for %scan3A_25 = %scan3A_12 to %scan3A_14 step %scan3A_15  : i32 {
      %mul3A_26 = arith.constant 16 : i32
      %mul3A_27 = arith.muli %scan3A_25, %mul3A_26 : i32
      %swap3A = arith.index_cast %mul3A_27 : i32 to index
      %swap3A_28 = tpu.vector_load %arg8[%swap3A] {strides = array<i32>} : memref<3216xi32, #tpu.memory_space<vmem>>, vector<16xi32>,
      tpu.vector_store %arg8[%swap3A], %broadcast_in_dim3A_10 {strides = array<i32>} : memref<3216xi32, #tpu.memory_space<vmem>>, vector<16xi32>,
    }
    %scan3A_16 = arith.constant 201 : i32
    %scan3A_17 = arith.constant 0 : i32
    %scan3A_18 = arith.constant 0 : i32
    %scan3A_19 = arith.constant 50 : i32
    %scan3A_20 = arith.addi %scan3A_18, %scan3A_19 : i32
    %scan3A_21 = arith.constant 1 : i32
    scf.for %scan3A_25 = %scan3A_18 to %scan3A_20 step %scan3A_21  : i32 {
      %mul3A_26 = arith.constant 3200 : i32
      %mul3A_27 = arith.muli %scan3A_25, %mul3A_26 : i32
      "tpu.region"() ({
        %run_scoped3A = tpu.sem_alloc : memref<!tpu.dma_semaphore, #tpu.memory_space<semaphore_mem>>
        %dma_start3A = tpu.memref_slice %arg2[%mul3A_27] : memref<320000xi32, #tpu.memory_space<hbm>> -> memref<3200xi32, #tpu.memory_space<hbm>>
        %dma_start3A_68 = tpu.memref_slice %arg2[%mul3A_27] : memref<320000xi32, #tpu.memory_space<hbm>> -> memref<3200xi32, #tpu.memory_space<hbm>>
        tpu.enqueue_dma source(%dma_start3A_68 : memref<3200xi32, #tpu.memory_space<hbm>>) target(%arg6 : memref<3200xi32, #tpu.memory_space<vmem>>) target_semaphore(%run_scoped3A : memref<!tpu.dma_semaphore, #tpu.memory_space<semaphore_mem>>)
        %dma_wait3A = tpu.memref_slice %arg2[%mul3A_27] : memref<320000xi32, #tpu.memory_space<hbm>> -> memref<3200xi32, #tpu.memory_space<hbm>>
        %dma_wait3A_69 = tpu.memref_slice %arg2[%mul3A_27] : memref<320000xi32, #tpu.memory_space<hbm>> -> memref<3200xi32, #tpu.memory_space<hbm>>
        tpu.wait_dma2 semaphore(%run_scoped3A : memref<!tpu.dma_semaphore, #tpu.memory_space<semaphore_mem>>) src(%dma_wait3A_69 : memref<3200xi32, #tpu.memory_space<hbm>>) dst(%arg6 : memref<3200xi32, #tpu.memory_space<vmem>>)
        tpu.yield
      }) : () -> ()
      %add3A_28 = arith.constant 160000 : i32
      %add3A_29 = arith.addi %add3A_28, %mul3A_27 : i32
      "tpu.region"() ({
        %run_scoped3A = tpu.sem_alloc : memref<!tpu.dma_semaphore, #tpu.memory_space<semaphore_mem>>
        %dma_start3A = tpu.memref_slice %arg2[%add3A_29] : memref<320000xi32, #tpu.memory_space<hbm>> -> memref<3200xi32, #tpu.memory_space<hbm>>
        %dma_start3A_68 = tpu.memref_slice %arg2[%add3A_29] : memref<320000xi32, #tpu.memory_space<hbm>> -> memref<3200xi32, #tpu.memory_space<hbm>>
        tpu.enqueue_dma source(%dma_start3A_68 : memref<3200xi32, #tpu.memory_space<hbm>>) target(%arg7 : memref<3200xi32, #tpu.memory_space<vmem>>) target_semaphore(%run_scoped3A : memref<!tpu.dma_semaphore, #tpu.memory_space<semaphore_mem>>)
        %dma_wait3A = tpu.memref_slice %arg2[%add3A_29] : memref<320000xi32, #tpu.memory_space<hbm>> -> memref<3200xi32, #tpu.memory_space<hbm>>
        %dma_wait3A_69 = tpu.memref_slice %arg2[%add3A_29] : memref<320000xi32, #tpu.memory_space<hbm>> -> memref<3200xi32, #tpu.memory_space<hbm>>
        tpu.wait_dma2 semaphore(%run_scoped3A : memref<!tpu.dma_semaphore, #tpu.memory_space<semaphore_mem>>) src(%dma_wait3A_69 : memref<3200xi32, #tpu.memory_space<hbm>>) dst(%arg7 : memref<3200xi32, #tpu.memory_space<vmem>>)
        tpu.yield
      }) : () -> ()
      %scan3A_30 = arith.constant 0 : i32
      %scan3A_31 = arith.constant 0 : i32
      %scan3A_32 = arith.constant 200 : i32
      %scan3A_33 = arith.addi %scan3A_31, %scan3A_32 : i32
      %scan3A_34 = arith.constant 1 : i32
      %scan3A_35 = scf.for %scan3A_68 = %scan3A_31 to %scan3A_33 step %scan3A_34 iter_args(%scan3A_69 = %scan3A_30) -> (i32)  : i32 {
        %mul3A_70 = arith.constant 16 : i32
        %mul3A_71 = arith.muli %scan3A_68, %mul3A_70 : i32
        %get3A = arith.index_cast %mul3A_71 : i32 to index
        %get3A_72 = tpu.vector_load %arg7[%get3A] {strides = array<i32>} : memref<3200xi32, #tpu.memory_space<vmem>>, vector<16xi32>,
        %mul3A_73 = arith.constant 16 : i32
        %mul3A_74 = arith.muli %scan3A_68, %mul3A_73 : i32
        %get3A_75 = arith.index_cast %mul3A_74 : i32 to index
        %get3A_76 = tpu.vector_load %arg6[%get3A_75] {strides = array<i32>} : memref<3200xi32, #tpu.memory_space<vmem>>, vector<16xi32>,
        %sub3A_77 = vector.broadcast %mul3A_2 : i32 to vector<16xi32>
        %sub3A_78 = arith.subi %get3A_72, %sub3A_77 : vector<16xi32>
        %ge3A = arith.constant 0 : i32
        %ge3A_79 = vector.broadcast %ge3A : i32 to vector<16xi32>
        %ge3A_80 = arith.cmpi sge, %sub3A_78, %ge3A_79 : vector<16xi32>
        %lt3A = arith.constant 313 : i32
        %lt3A_81 = vector.broadcast %lt3A : i32 to vector<16xi32>
        %lt3A_82 = arith.cmpi slt, %sub3A_78, %lt3A_81 : vector<16xi32>
        %and3A_83 = arith.andi %ge3A_80, %lt3A_82 : vector<16xi1>
        %jit3A_84 = arith.constant 1 : i32
        %jit3A_85 = arith.constant 0 : i32
        %broadcast_in_dim3A_86 = vector.broadcast %jit3A_84 : i32 to vector<16xi32>
        %broadcast_in_dim3A_87 = vector.broadcast %jit3A_85 : i32 to vector<16xi32>
        %select_n3A_88 = arith.select %and3A_83, %broadcast_in_dim3A_86, %broadcast_in_dim3A_87 : vector<16xi1>, vector<16xi32>
        %broadcast_in_dim3A_89 = arith.constant true
        %broadcast_in_dim3A_90 = vector.broadcast %broadcast_in_dim3A_89 : i1 to vector<16xi1>
        %masked_cumsum3A = tpu.scan <sum>, %select_n3A_88 masked %broadcast_in_dim3A_90 : vector<16xi32>, vector<16xi1> -> vector<16xi32>
        %add3A_91 = vector.broadcast %scan3A_69 : i32 to vector<16xi32>
        %add3A_92 = arith.addi %add3A_91, %masked_cumsum3A : vector<16xi32>
        %sub3A_93 = arith.constant 1 : i32
        %sub3A_94 = vector.broadcast %sub3A_93 : i32 to vector<16xi32>
        %sub3A_95 = arith.subi %add3A_92, %sub3A_94 : vector<16xi32>
        tpu.vector_store_idx %arg8[%sub3A_95], %get3A_76 masked %and3A_83 : memref<3216xi32, #tpu.memory_space<vmem>>[vector<16xi32>], vector<16xi32>, vector<16xi1>
        tpu.vector_store_idx %arg9[%sub3A_95], %sub3A_78 masked %and3A_83 : memref<3216xi32, #tpu.memory_space<vmem>>[vector<16xi32>], vector<16xi32>, vector<16xi1>
        %slice3A = vector.extract_strided_slice %masked_cumsum3A {offsets = [15], sizes = [1], strides = [1]} : vector<16xi32> to vector<1xi32>
        %squeeze3A = vector.extract %slice3A[0] : i32 from vector<1xi32>
        %add3A_96 = arith.addi %scan3A_69, %squeeze3A : i32
        scf.yield %add3A_96 : i32
      }
      %scan3A_36 = arith.constant 200 : i32
      %add3A_37 = arith.constant 32 : i32
      %add3A_38 = arith.addi %scan3A_35, %add3A_37 : i32
      %sub3A = arith.constant 1 : i32
      %sub3A_39 = arith.subi %add3A_38, %sub3A : i32
      %jit3A = arith.constant 32 : i32
      %div3A = arith.divsi %sub3A_39, %jit3A : i32
      %sign3A = arith.constant 0 : i32
      %sign3A_40 = arith.cmpi sgt, %sub3A_39, %sign3A : i32
      %sign3A_41 = arith.extui %sign3A_40 : i1 to i32
      %sign3A_42 = arith.constant 0 : i32
      %sign3A_43 = arith.cmpi slt, %sub3A_39, %sign3A_42 : i32
      %sign3A_44 = arith.extui %sign3A_43 : i1 to i32
      %sign3A_45 = arith.subi %sign3A_41, %sign3A_44 : i32
      %sign3A_46 = arith.constant 0 : i32
      %sign3A_47 = arith.cmpi sgt, %jit3A, %sign3A_46 : i32
      %sign3A_48 = arith.extui %sign3A_47 : i1 to i32
      %sign3A_49 = arith.constant 0 : i32
      %sign3A_50 = arith.cmpi slt, %jit3A, %sign3A_49 : i32
      %sign3A_51 = arith.extui %sign3A_50 : i1 to i32
      %sign3A_52 = arith.subi %sign3A_48, %sign3A_51 : i32
      %ne3A = arith.cmpi ne, %sign3A_45, %sign3A_52 : i32
      %rem3A = arith.remsi %sub3A_39, %jit3A : i32
      %ne3A_53 = arith.constant 0 : i32
      %ne3A_54 = arith.cmpi ne, %rem3A, %ne3A_53 : i32
      %and3A = arith.andi %ne3A, %ne3A_54 : i1
      %sub3A_55 = arith.constant 1 : i32
      %sub3A_56 = arith.subi %div3A, %sub3A_55 : i32
      %select_n3A = arith.select %and3A, %sub3A_56, %div3A : i32
      %gt3A = arith.constant 0 : i32
      %gt3A_57 = arith.cmpi sgt, %select_n3A, %gt3A : i32
      %convert_element_type3A = arith.extui %gt3A_57 : i1 to i32
      %cond3A = arith.constant 0 : i32
      %cond3A_58 = arith.cmpi ne, %convert_element_type3A, %cond3A : i32
      scf.if %cond3A_58 {
        %dma_start3A = arith.constant 0 : i32
        %dma_start3A_68 = arith.constant 0 : i32
        %dma_start3A_69 = arith.constant 0 : i32
        %dma_start3A_70 = tpu.memref_slice %arg10[%dma_start3A, %dma_start3A_68, %dma_start3A_69] : memref<2x32x128xi32, #tpu.memory_space<vmem>> -> memref<1x32x128xi32, #tpu.memory_space<vmem>>
        %dma_start3A_71 = tpu.memref_squeeze %dma_start3A_70 : memref<1x32x128xi32, #tpu.memory_space<vmem>> -> memref<32x128xi32, #tpu.memory_space<vmem>>
        %dma_start3A_72 = arith.constant 0 : i32
        %dma_start3A_73 = tpu.memref_slice %arg8[%dma_start3A_72] : memref<3216xi32, #tpu.memory_space<vmem>> -> memref<32xi32, #tpu.memory_space<vmem>>
        %dma_start3A_74 = arith.constant 0 : i32
        %dma_start3A_75 = arith.constant 0 : i32
        %dma_start3A_76 = tpu.memref_slice %arg3[%dma_start3A_74, %dma_start3A_75] : memref<10000x128xi32, #tpu.memory_space<hbm>> -> memref<10000x128xi32, #tpu.memory_space<hbm>>
        tpu.enqueue_indirect_dma source(%dma_start3A_76 : memref<10000x128xi32, #tpu.memory_space<hbm>>) target(%dma_start3A_71 : memref<32x128xi32, #tpu.memory_space<vmem>>) offsets(%dma_start3A_73 : memref<32xi32, #tpu.memory_space<vmem>>) semaphore(%arg11 : memref<!tpu.dma_semaphore, #tpu.memory_space<semaphore_mem>>)
      } else {
      }
      %while3A = arith.constant 0 : i32
      %while3A_59 = arith.constant 0 : i32
      %while3A_60 = arith.subi %select_n3A, %while3A_59 : i32
      %while3A_61 = arith.addi %while3A_59, %while3A_60 : i32
      %while3A_62 = arith.constant 1 : i32
      %while3A_63 = arith.divsi %while3A_60, %while3A_62 : i32
      %while3A_64 = arith.muli %while3A_63, %while3A_62 : i32
      %while3A_65 = arith.addi %while3A_59, %while3A_64 : i32
      %while3A_66 = arith.constant 1 : i32
      scf.for %while3A_68 = %while3A_59 to %while3A_65 step %while3A_66  : i32 {
        %mul3A_69 = arith.constant 32 : i32
        %mul3A_70 = arith.muli %while3A_68, %mul3A_69 : i32
        %sub3A_71 = arith.subi %scan3A_35, %mul3A_70 : i32
        %jit3A_72 = arith.constant 2 : i32
        %eq3A = arith.constant 0 : i32
        %eq3A_73 = arith.cmpi eq, %jit3A_72, %eq3A : i32
        %jit3A_74 = arith.constant 1 : i32
        %select_n3A_75 = arith.select %eq3A_73, %jit3A_74, %jit3A_72 : i32
        %rem3A_76 = arith.remsi %while3A_68, %select_n3A_75 : i32
        %ne3A_77 = arith.constant 0 : i32
        %ne3A_78 = arith.cmpi ne, %rem3A_76, %ne3A_77 : i32
        %lt3A = arith.constant 0 : i32
        %lt3A_79 = arith.cmpi slt, %rem3A_76, %lt3A : i32
        %lt3A_80 = arith.constant 0 : i32
        %lt3A_81 = arith.cmpi slt, %select_n3A_75, %lt3A_80 : i32
        %ne3A_82 = arith.xori %lt3A_79, %lt3A_81 : i1
        %and3A_83 = arith.andi %ne3A_82, %ne3A_78 : i1
        %add3A_84 = arith.addi %rem3A_76, %select_n3A_75 : i32
        %select_n3A_85 = arith.select %and3A_83, %add3A_84, %rem3A_76 : i32
        %eq3A_86 = arith.constant 0 : i32
        %eq3A_87 = arith.cmpi eq, %select_n3A_85, %eq3A_86 : i32
        %convert_element_type3A_88 = arith.extui %eq3A_87 : i1 to i32
        %cond3A_89 = arith.constant 0 : i32
        %cond3A_90 = arith.cmpi ne, %convert_element_type3A_88, %cond3A_89 : i32
        scf.if %cond3A_90 {
          %mul3A_112 = arith.constant 32 : i32
          %mul3A_113 = arith.muli %while3A_68, %mul3A_112 : i32
          %dma_wait3A = arith.constant 0 : i32
          %dma_wait3A_114 = arith.constant 0 : i32
          %dma_wait3A_115 = arith.constant 0 : i32
          %dma_wait3A_116 = tpu.memref_slice %arg10[%dma_wait3A, %dma_wait3A_114, %dma_wait3A_115] : memref<2x32x128xi32, #tpu.memory_space<vmem>> -> memref<1x32x128xi32, #tpu.memory_space<vmem>>
          %dma_wait3A_117 = tpu.memref_squeeze %dma_wait3A_116 : memref<1x32x128xi32, #tpu.memory_space<vmem>> -> memref<32x128xi32, #tpu.memory_space<vmem>>
          %dma_wait3A_118 = tpu.memref_slice %arg8[%mul3A_113] : memref<3216xi32, #tpu.memory_space<vmem>> -> memref<32xi32, #tpu.memory_space<vmem>>
          %dma_wait3A_119 = arith.constant 0 : i32
          %dma_wait3A_120 = arith.constant 0 : i32
          %dma_wait3A_121 = tpu.memref_slice %arg3[%dma_wait3A_119, %dma_wait3A_120] : memref<10000x128xi32, #tpu.memory_space<hbm>> -> memref<10000x128xi32, #tpu.memory_space<hbm>>
          tpu.wait_indirect_dma semaphore(%arg11 : memref<!tpu.dma_semaphore, #tpu.memory_space<semaphore_mem>>) src(%dma_wait3A_121 : memref<10000x128xi32, #tpu.memory_space<hbm>>) dst(%dma_wait3A_117 : memref<32x128xi32, #tpu.memory_space<vmem>>)
          %add3A_122 = arith.constant 1 : i32
          %add3A_123 = arith.addi %while3A_68, %add3A_122 : i32
          %lt3A_124 = arith.cmpi slt, %add3A_123, %select_n3A : i32
          %convert_element_type3A_125 = arith.extui %lt3A_124 : i1 to i32
          %cond3A_126 = arith.constant 0 : i32
          %cond3A_127 = arith.cmpi ne, %convert_element_type3A_125, %cond3A_126 : i32
          scf.if %cond3A_127 {
            %add3A_134 = arith.constant 1 : i32
            %add3A_135 = arith.addi %while3A_68, %add3A_134 : i32
            %mul3A_136 = arith.constant 32 : i32
            %mul3A_137 = arith.muli %add3A_135, %mul3A_136 : i32
            %dma_start3A = arith.constant 1 : i32
            %dma_start3A_138 = arith.constant 0 : i32
            %dma_start3A_139 = arith.constant 0 : i32
            %dma_start3A_140 = tpu.memref_slice %arg10[%dma_start3A, %dma_start3A_138, %dma_start3A_139] : memref<2x32x128xi32, #tpu.memory_space<vmem>> -> memref<1x32x128xi32, #tpu.memory_space<vmem>>
            %dma_start3A_141 = tpu.memref_squeeze %dma_start3A_140 : memref<1x32x128xi32, #tpu.memory_space<vmem>> -> memref<32x128xi32, #tpu.memory_space<vmem>>
            %dma_start3A_142 = tpu.memref_slice %arg8[%mul3A_137] : memref<3216xi32, #tpu.memory_space<vmem>> -> memref<32xi32, #tpu.memory_space<vmem>>
            %dma_start3A_143 = arith.constant 0 : i32
            %dma_start3A_144 = arith.constant 0 : i32
            %dma_start3A_145 = tpu.memref_slice %arg3[%dma_start3A_143, %dma_start3A_144] : memref<10000x128xi32, #tpu.memory_space<hbm>> -> memref<10000x128xi32, #tpu.memory_space<hbm>>
            tpu.enqueue_indirect_dma source(%dma_start3A_145 : memref<10000x128xi32, #tpu.memory_space<hbm>>) target(%dma_start3A_141 : memref<32x128xi32, #tpu.memory_space<vmem>>) offsets(%dma_start3A_142 : memref<32xi32, #tpu.memory_space<vmem>>) semaphore(%arg12 : memref<!tpu.dma_semaphore, #tpu.memory_space<semaphore_mem>>)
          } else {
          }
          %scan3A_128 = arith.constant 0 : i32
          %scan3A_129 = arith.constant 0 : i32
          %scan3A_130 = arith.constant 32 : i32
          %scan3A_131 = arith.addi %scan3A_129, %scan3A_130 : i32
          %scan3A_132 = arith.constant 1 : i32
          scf.for %scan3A_134 = %scan3A_129 to %scan3A_131 step %scan3A_132  : i32 {
            %lt3A_135 = arith.cmpi slt, %scan3A_134, %sub3A_71 : i32
            %convert_element_type3A_136 = arith.extui %lt3A_135 : i1 to i32
            %cond3A_137 = arith.constant 0 : i32
            %cond3A_138 = arith.cmpi ne, %convert_element_type3A_136, %cond3A_137 : i32
            scf.if %cond3A_138 {
              %mul3A_139 = arith.constant 32 : i32
              %mul3A_140 = arith.muli %while3A_68, %mul3A_139 : i32
              %add3A_141 = arith.addi %mul3A_140, %scan3A_134 : i32
              %get3A = arith.index_cast %add3A_141 : i32 to index
              %get3A_142 = tpu.vector_load %arg9[%get3A] {strides = array<i32>} : memref<3216xi32, #tpu.memory_space<vmem>>, vector<16xi32>,
              %slice3A = vector.extract_strided_slice %get3A_142 {offsets = [0], sizes = [1], strides = [1]} : vector<16xi32> to vector<1xi32>
              %squeeze3A = vector.extract %slice3A[0] : i32 from vector<1xi32>
              %mul3A_143 = arith.constant 128 : i32
              %mul3A_144 = arith.muli %squeeze3A, %mul3A_143 : i32
              %get3A_145 = arith.constant 0 : i32
              %get3A_146 = arith.index_cast %get3A_145 : i32 to index
              %get3A_147 = arith.index_cast %scan3A_134 : i32 to index
              %get3A_148 = arith.constant 0 : index
              %get3A_149 = tpu.vector_load %arg10[%get3A_146, %get3A_147, %get3A_148] {strides = array<i32>} : memref<2x32x128xi32, #tpu.memory_space<vmem>>, vector<16xi32>,
              %bitcast3A_150 = vector.bitcast %get3A_149 : vector<16xi32> to vector<32xbf16>
              %add3A_151 = arith.constant 0 : i32
              %add3A_152 = arith.addi %mul3A_144, %add3A_151 : i32
              %get3A_153 = arith.index_cast %add3A_152 : i32 to index
              %get3A_154 = tpu.vector_load %arg5[%get3A_153] {strides = array<i32>} : memref<40064xi32, #tpu.memory_space<vmem>>, vector<16xi32>,
              %bitcast3A_155 = vector.bitcast %get3A_154 : vector<16xi32> to vector<32xbf16>
              %min3A = arith.minimumf %bitcast3A_155, %bitcast3A_150 : vector<32xbf16>
              %bitcast3A_156 = vector.bitcast %min3A : vector<32xbf16> to vector<16xi32>
              %swap3A = arith.index_cast %add3A_152 : i32 to index
              %swap3A_157 = tpu.vector_load %arg5[%swap3A] {strides = array<i32>} : memref<40064xi32, #tpu.memory_space<vmem>>, vector<16xi32>,
              tpu.vector_store %arg5[%swap3A], %bitcast3A_156 {strides = array<i32>} : memref<40064xi32, #tpu.memory_space<vmem>>, vector<16xi32>,
              %get3A_158 = arith.constant 0 : i32
              %get3A_159 = arith.index_cast %get3A_158 : i32 to index
              %get3A_160 = arith.index_cast %scan3A_134 : i32 to index
              %get3A_161 = arith.constant 16 : index
              %get3A_162 = tpu.vector_load %arg10[%get3A_159, %get3A_160, %get3A_161] {strides = array<i32>} : memref<2x32x128xi32, #tpu.memory_space<vmem>>, vector<16xi32>,
              %bitcast3A_163 = vector.bitcast %get3A_162 : vector<16xi32> to vector<32xbf16>
              %add3A_164 = arith.constant 16 : i32
              %add3A_165 = arith.addi %mul3A_144, %add3A_164 : i32
              %get3A_166 = arith.index_cast %add3A_165 : i32 to index
              %get3A_167 = tpu.vector_load %arg5[%get3A_166] {strides = array<i32>} : memref<40064xi32, #tpu.memory_space<vmem>>, vector<16xi32>,
              %bitcast3A_168 = vector.bitcast %get3A_167 : vector<16xi32> to vector<32xbf16>
              %min3A_169 = arith.minimumf %bitcast3A_168, %bitcast3A_163 : vector<32xbf16>
              %bitcast3A_170 = vector.bitcast %min3A_169 : vector<32xbf16> to vector<16xi32>
              %swap3A_171 = arith.index_cast %add3A_165 : i32 to index
              %swap3A_172 = tpu.vector_load %arg5[%swap3A_171] {strides = array<i32>} : memref<40064xi32, #tpu.memory_space<vmem>>, vector<16xi32>,
              tpu.vector_store %arg5[%swap3A_171], %bitcast3A_170 {strides = array<i32>} : memref<40064xi32, #tpu.memory_space<vmem>>, vector<16xi32>,
              %get3A_173 = arith.constant 0 : i32
              %get3A_174 = arith.index_cast %get3A_173 : i32 to index
              %get3A_175 = arith.index_cast %scan3A_134 : i32 to index
              %get3A_176 = arith.constant 32 : index
              %get3A_177 = tpu.vector_load %arg10[%get3A_174, %get3A_175, %get3A_176] {strides = array<i32>} : memref<2x32x128xi32, #tpu.memory_space<vmem>>, vector<16xi32>,
              %bitcast3A_178 = vector.bitcast %get3A_177 : vector<16xi32> to vector<32xbf16>
              %add3A_179 = arith.constant 32 : i32
              %add3A_180 = arith.addi %mul3A_144, %add3A_179 : i32
              %get3A_181 = arith.index_cast %add3A_180 : i32 to index
              %get3A_182 = tpu.vector_load %arg5[%get3A_181] {strides = array<i32>} : memref<40064xi32, #tpu.memory_space<vmem>>, vector<16xi32>,
              %bitcast3A_183 = vector.bitcast %get3A_182 : vector<16xi32> to vector<32xbf16>
              %min3A_184 = arith.minimumf %bitcast3A_183, %bitcast3A_178 : vector<32xbf16>
              %bitcast3A_185 = vector.bitcast %min3A_184 : vector<32xbf16> to vector<16xi32>
              %swap3A_186 = arith.index_cast %add3A_180 : i32 to index
              %swap3A_187 = tpu.vector_load %arg5[%swap3A_186] {strides = array<i32>} : memref<40064xi32, #tpu.memory_space<vmem>>, vector<16xi32>,
              tpu.vector_store %arg5[%swap3A_186], %bitcast3A_185 {strides = array<i32>} : memref<40064xi32, #tpu.memory_space<vmem>>, vector<16xi32>,
              %get3A_188 = arith.constant 0 : i32
              %get3A_189 = arith.index_cast %get3A_188 : i32 to index
              %get3A_190 = arith.index_cast %scan3A_134 : i32 to index
              %get3A_191 = arith.constant 48 : index
              %get3A_192 = tpu.vector_load %arg10[%get3A_189, %get3A_190, %get3A_191] {strides = array<i32>} : memref<2x32x128xi32, #tpu.memory_space<vmem>>, vector<16xi32>,
              %bitcast3A_193 = vector.bitcast %get3A_192 : vector<16xi32> to vector<32xbf16>
              %add3A_194 = arith.constant 48 : i32
              %add3A_195 = arith.addi %mul3A_144, %add3A_194 : i32
              %get3A_196 = arith.index_cast %add3A_195 : i32 to index
              %get3A_197 = tpu.vector_load %arg5[%get3A_196] {strides = array<i32>} : memref<40064xi32, #tpu.memory_space<vmem>>, vector<16xi32>,
              %bitcast3A_198 = vector.bitcast %get3A_197 : vector<16xi32> to vector<32xbf16>
              %min3A_199 = arith.minimumf %bitcast3A_198, %bitcast3A_193 : vector<32xbf16>
              %bitcast3A_200 = vector.bitcast %min3A_199 : vector<32xbf16> to vector<16xi32>
              %swap3A_201 = arith.index_cast %add3A_195 : i32 to index
              %swap3A_202 = tpu.vector_load %arg5[%swap3A_201] {strides = array<i32>} : memref<40064xi32, #tpu.memory_space<vmem>>, vector<16xi32>,
              tpu.vector_store %arg5[%swap3A_201], %bitcast3A_200 {strides = array<i32>} : memref<40064xi32, #tpu.memory_space<vmem>>, vector<16xi32>,
              %get3A_203 = arith.constant 0 : i32
              %get3A_204 = arith.index_cast %get3A_203 : i32 to index
              %get3A_205 = arith.index_cast %scan3A_134 : i32 to index
              %get3A_206 = arith.constant 64 : index
              %get3A_207 = tpu.vector_load %arg10[%get3A_204, %get3A_205, %get3A_206] {strides = array<i32>} : memref<2x32x128xi32, #tpu.memory_space<vmem>>, vector<16xi32>,
              %bitcast3A_208 = vector.bitcast %get3A_207 : vector<16xi32> to vector<32xbf16>
              %add3A_209 = arith.constant 64 : i32
              %add3A_210 = arith.addi %mul3A_144, %add3A_209 : i32
              %get3A_211 = arith.index_cast %add3A_210 : i32 to index
              %get3A_212 = tpu.vector_load %arg5[%get3A_211] {strides = array<i32>} : memref<40064xi32, #tpu.memory_space<vmem>>, vector<16xi32>,
              %bitcast3A_213 = vector.bitcast %get3A_212 : vector<16xi32> to vector<32xbf16>
              %min3A_214 = arith.minimumf %bitcast3A_213, %bitcast3A_208 : vector<32xbf16>
              %bitcast3A_215 = vector.bitcast %min3A_214 : vector<32xbf16> to vector<16xi32>
              %swap3A_216 = arith.index_cast %add3A_210 : i32 to index
              %swap3A_217 = tpu.vector_load %arg5[%swap3A_216] {strides = array<i32>} : memref<40064xi32, #tpu.memory_space<vmem>>, vector<16xi32>,
              tpu.vector_store %arg5[%swap3A_216], %bitcast3A_215 {strides = array<i32>} : memref<40064xi32, #tpu.memory_space<vmem>>, vector<16xi32>,
              %get3A_218 = arith.constant 0 : i32
              %get3A_219 = arith.index_cast %get3A_218 : i32 to index
              %get3A_220 = arith.index_cast %scan3A_134 : i32 to index
              %get3A_221 = arith.constant 80 : index
              %get3A_222 = tpu.vector_load %arg10[%get3A_219, %get3A_220, %get3A_221] {strides = array<i32>} : memref<2x32x128xi32, #tpu.memory_space<vmem>>, vector<16xi32>,
              %bitcast3A_223 = vector.bitcast %get3A_222 : vector<16xi32> to vector<32xbf16>
              %add3A_224 = arith.constant 80 : i32
              %add3A_225 = arith.addi %mul3A_144, %add3A_224 : i32
              %get3A_226 = arith.index_cast %add3A_225 : i32 to index
              %get3A_227 = tpu.vector_load %arg5[%get3A_226] {strides = array<i32>} : memref<40064xi32, #tpu.memory_space<vmem>>, vector<16xi32>,
              %bitcast3A_228 = vector.bitcast %get3A_227 : vector<16xi32> to vector<32xbf16>
              %min3A_229 = arith.minimumf %bitcast3A_228, %bitcast3A_223 : vector<32xbf16>
              %bitcast3A_230 = vector.bitcast %min3A_229 : vector<32xbf16> to vector<16xi32>
              %swap3A_231 = arith.index_cast %add3A_225 : i32 to index
              %swap3A_232 = tpu.vector_load %arg5[%swap3A_231] {strides = array<i32>} : memref<40064xi32, #tpu.memory_space<vmem>>, vector<16xi32>,
              tpu.vector_store %arg5[%swap3A_231], %bitcast3A_230 {strides = array<i32>} : memref<40064xi32, #tpu.memory_space<vmem>>, vector<16xi32>,
              %get3A_233 = arith.constant 0 : i32
              %get3A_234 = arith.index_cast %get3A_233 : i32 to index
              %get3A_235 = arith.index_cast %scan3A_134 : i32 to index
              %get3A_236 = arith.constant 96 : index
              %get3A_237 = tpu.vector_load %arg10[%get3A_234, %get3A_235, %get3A_236] {strides = array<i32>} : memref<2x32x128xi32, #tpu.memory_space<vmem>>, vector<16xi32>,
              %bitcast3A_238 = vector.bitcast %get3A_237 : vector<16xi32> to vector<32xbf16>
              %add3A_239 = arith.constant 96 : i32
              %add3A_240 = arith.addi %mul3A_144, %add3A_239 : i32
              %get3A_241 = arith.index_cast %add3A_240 : i32 to index
              %get3A_242 = tpu.vector_load %arg5[%get3A_241] {strides = array<i32>} : memref<40064xi32, #tpu.memory_space<vmem>>, vector<16xi32>,
              %bitcast3A_243 = vector.bitcast %get3A_242 : vector<16xi32> to vector<32xbf16>
              %min3A_244 = arith.minimumf %bitcast3A_243, %bitcast3A_238 : vector<32xbf16>
              %bitcast3A_245 = vector.bitcast %min3A_244 : vector<32xbf16> to vector<16xi32>
              %swap3A_246 = arith.index_cast %add3A_240 : i32 to index
              %swap3A_247 = tpu.vector_load %arg5[%swap3A_246] {strides = array<i32>} : memref<40064xi32, #tpu.memory_space<vmem>>, vector<16xi32>,
              tpu.vector_store %arg5[%swap3A_246], %bitcast3A_245 {strides = array<i32>} : memref<40064xi32, #tpu.memory_space<vmem>>, vector<16xi32>,
              %get3A_248 = arith.constant 0 : i32
              %get3A_249 = arith.index_cast %get3A_248 : i32 to index
              %get3A_250 = arith.index_cast %scan3A_134 : i32 to index
              %get3A_251 = arith.constant 112 : index
              %get3A_252 = tpu.vector_load %arg10[%get3A_249, %get3A_250, %get3A_251] {strides = array<i32>} : memref<2x32x128xi32, #tpu.memory_space<vmem>>, vector<16xi32>,
              %bitcast3A_253 = vector.bitcast %get3A_252 : vector<16xi32> to vector<32xbf16>
              %add3A_254 = arith.constant 112 : i32
              %add3A_255 = arith.addi %mul3A_144, %add3A_254 : i32
              %get3A_256 = arith.index_cast %add3A_255 : i32 to index
              %get3A_257 = tpu.vector_load %arg5[%get3A_256] {strides = array<i32>} : memref<40064xi32, #tpu.memory_space<vmem>>, vector<16xi32>,
              %bitcast3A_258 = vector.bitcast %get3A_257 : vector<16xi32> to vector<32xbf16>
              %min3A_259 = arith.minimumf %bitcast3A_258, %bitcast3A_253 : vector<32xbf16>
              %bitcast3A_260 = vector.bitcast %min3A_259 : vector<32xbf16> to vector<16xi32>
              %swap3A_261 = arith.index_cast %add3A_255 : i32 to index
              %swap3A_262 = tpu.vector_load %arg5[%swap3A_261] {strides = array<i32>} : memref<40064xi32, #tpu.memory_space<vmem>>, vector<16xi32>,
              tpu.vector_store %arg5[%swap3A_261], %bitcast3A_260 {strides = array<i32>} : memref<40064xi32, #tpu.memory_space<vmem>>, vector<16xi32>,
            } else {
            }
          }
          %scan3A_133 = arith.constant 32 : i32
        } else {
        }
        %jit3A_91 = arith.constant 2 : i32
        %eq3A_92 = arith.constant 0 : i32
        %eq3A_93 = arith.cmpi eq, %jit3A_91, %eq3A_92 : i32
        %jit3A_94 = arith.constant 1 : i32
        %select_n3A_95 = arith.select %eq3A_93, %jit3A_94, %jit3A_91 : i32
        %rem3A_96 = arith.remsi %while3A_68, %select_n3A_95 : i32
        %ne3A_97 = arith.constant 0 : i32
        %ne3A_98 = arith.cmpi ne, %rem3A_96, %ne3A_97 : i32
        %lt3A_99 = arith.constant 0 : i32
        %lt3A_100 = arith.cmpi slt, %rem3A_96, %lt3A_99 : i32
        %lt3A_101 = arith.constant 0 : i32
        %lt3A_102 = arith.cmpi slt, %select_n3A_95, %lt3A_101 : i32
        %ne3A_103 = arith.xori %lt3A_100, %lt3A_102 : i1
        %and3A_104 = arith.andi %ne3A_103, %ne3A_98 : i1
        %add3A_105 = arith.addi %rem3A_96, %select_n3A_95 : i32
        %select_n3A_106 = arith.select %and3A_104, %add3A_105, %rem3A_96 : i32
        %eq3A_107 = arith.constant 1 : i32
        %eq3A_108 = arith.cmpi eq, %select_n3A_106, %eq3A_107 : i32
        %convert_element_type3A_109 = arith.extui %eq3A_108 : i1 to i32
        %cond3A_110 = arith.constant 0 : i32
        %cond3A_111 = arith.cmpi ne, %convert_element_type3A_109, %cond3A_110 : i32
        scf.if %cond3A_111 {
          %mul3A_112 = arith.constant 32 : i32
          %mul3A_113 = arith.muli %while3A_68, %mul3A_112 : i32
          %dma_wait3A = arith.constant 1 : i32
          %dma_wait3A_114 = arith.constant 0 : i32
          %dma_wait3A_115 = arith.constant 0 : i32
          %dma_wait3A_116 = tpu.memref_slice %arg10[%dma_wait3A, %dma_wait3A_114, %dma_wait3A_115] : memref<2x32x128xi32, #tpu.memory_space<vmem>> -> memref<1x32x128xi32, #tpu.memory_space<vmem>>
          %dma_wait3A_117 = tpu.memref_squeeze %dma_wait3A_116 : memref<1x32x128xi32, #tpu.memory_space<vmem>> -> memref<32x128xi32, #tpu.memory_space<vmem>>
          %dma_wait3A_118 = tpu.memref_slice %arg8[%mul3A_113] : memref<3216xi32, #tpu.memory_space<vmem>> -> memref<32xi32, #tpu.memory_space<vmem>>
          %dma_wait3A_119 = arith.constant 0 : i32
          %dma_wait3A_120 = arith.constant 0 : i32
          %dma_wait3A_121 = tpu.memref_slice %arg3[%dma_wait3A_119, %dma_wait3A_120] : memref<10000x128xi32, #tpu.memory_space<hbm>> -> memref<10000x128xi32, #tpu.memory_space<hbm>>
          tpu.wait_indirect_dma semaphore(%arg12 : memref<!tpu.dma_semaphore, #tpu.memory_space<semaphore_mem>>) src(%dma_wait3A_121 : memref<10000x128xi32, #tpu.memory_space<hbm>>) dst(%dma_wait3A_117 : memref<32x128xi32, #tpu.memory_space<vmem>>)
          %add3A_122 = arith.constant 1 : i32
          %add3A_123 = arith.addi %while3A_68, %add3A_122 : i32
          %lt3A_124 = arith.cmpi slt, %add3A_123, %select_n3A : i32
          %convert_element_type3A_125 = arith.extui %lt3A_124 : i1 to i32
          %cond3A_126 = arith.constant 0 : i32
          %cond3A_127 = arith.cmpi ne, %convert_element_type3A_125, %cond3A_126 : i32
          scf.if %cond3A_127 {
            %add3A_134 = arith.constant 1 : i32
            %add3A_135 = arith.addi %while3A_68, %add3A_134 : i32
            %mul3A_136 = arith.constant 32 : i32
            %mul3A_137 = arith.muli %add3A_135, %mul3A_136 : i32
            %dma_start3A = arith.constant 0 : i32
            %dma_start3A_138 = arith.constant 0 : i32
            %dma_start3A_139 = arith.constant 0 : i32
            %dma_start3A_140 = tpu.memref_slice %arg10[%dma_start3A, %dma_start3A_138, %dma_start3A_139] : memref<2x32x128xi32, #tpu.memory_space<vmem>> -> memref<1x32x128xi32, #tpu.memory_space<vmem>>
            %dma_start3A_141 = tpu.memref_squeeze %dma_start3A_140 : memref<1x32x128xi32, #tpu.memory_space<vmem>> -> memref<32x128xi32, #tpu.memory_space<vmem>>
            %dma_start3A_142 = tpu.memref_slice %arg8[%mul3A_137] : memref<3216xi32, #tpu.memory_space<vmem>> -> memref<32xi32, #tpu.memory_space<vmem>>
            %dma_start3A_143 = arith.constant 0 : i32
            %dma_start3A_144 = arith.constant 0 : i32
            %dma_start3A_145 = tpu.memref_slice %arg3[%dma_start3A_143, %dma_start3A_144] : memref<10000x128xi32, #tpu.memory_space<hbm>> -> memref<10000x128xi32, #tpu.memory_space<hbm>>
            tpu.enqueue_indirect_dma source(%dma_start3A_145 : memref<10000x128xi32, #tpu.memory_space<hbm>>) target(%dma_start3A_141 : memref<32x128xi32, #tpu.memory_space<vmem>>) offsets(%dma_start3A_142 : memref<32xi32, #tpu.memory_space<vmem>>) semaphore(%arg11 : memref<!tpu.dma_semaphore, #tpu.memory_space<semaphore_mem>>)
          } else {
          }
          %scan3A_128 = arith.constant 0 : i32
          %scan3A_129 = arith.constant 0 : i32
          %scan3A_130 = arith.constant 32 : i32
          %scan3A_131 = arith.addi %scan3A_129, %scan3A_130 : i32
          %scan3A_132 = arith.constant 1 : i32
          scf.for %scan3A_134 = %scan3A_129 to %scan3A_131 step %scan3A_132  : i32 {
            %lt3A_135 = arith.cmpi slt, %scan3A_134, %sub3A_71 : i32
            %convert_element_type3A_136 = arith.extui %lt3A_135 : i1 to i32
            %cond3A_137 = arith.constant 0 : i32
            %cond3A_138 = arith.cmpi ne, %convert_element_type3A_136, %cond3A_137 : i32
            scf.if %cond3A_138 {
              %mul3A_139 = arith.constant 32 : i32
              %mul3A_140 = arith.muli %while3A_68, %mul3A_139 : i32
              %add3A_141 = arith.addi %mul3A_140, %scan3A_134 : i32
              %get3A = arith.index_cast %add3A_141 : i32 to index
              %get3A_142 = tpu.vector_load %arg9[%get3A] {strides = array<i32>} : memref<3216xi32, #tpu.memory_space<vmem>>, vector<16xi32>,
              %slice3A = vector.extract_strided_slice %get3A_142 {offsets = [0], sizes = [1], strides = [1]} : vector<16xi32> to vector<1xi32>
              %squeeze3A = vector.extract %slice3A[0] : i32 from vector<1xi32>
              %mul3A_143 = arith.constant 128 : i32
              %mul3A_144 = arith.muli %squeeze3A, %mul3A_143 : i32
              %get3A_145 = arith.constant 1 : i32
              %get3A_146 = arith.index_cast %get3A_145 : i32 to index
              %get3A_147 = arith.index_cast %scan3A_134 : i32 to index
              %get3A_148 = arith.constant 0 : index
              %get3A_149 = tpu.vector_load %arg10[%get3A_146, %get3A_147, %get3A_148] {strides = array<i32>} : memref<2x32x128xi32, #tpu.memory_space<vmem>>, vector<16xi32>,
              %bitcast3A_150 = vector.bitcast %get3A_149 : vector<16xi32> to vector<32xbf16>
              %add3A_151 = arith.constant 0 : i32
              %add3A_152 = arith.addi %mul3A_144, %add3A_151 : i32
              %get3A_153 = arith.index_cast %add3A_152 : i32 to index
              %get3A_154 = tpu.vector_load %arg5[%get3A_153] {strides = array<i32>} : memref<40064xi32, #tpu.memory_space<vmem>>, vector<16xi32>,
              %bitcast3A_155 = vector.bitcast %get3A_154 : vector<16xi32> to vector<32xbf16>
              %min3A = arith.minimumf %bitcast3A_155, %bitcast3A_150 : vector<32xbf16>
              %bitcast3A_156 = vector.bitcast %min3A : vector<32xbf16> to vector<16xi32>
              %swap3A = arith.index_cast %add3A_152 : i32 to index
              %swap3A_157 = tpu.vector_load %arg5[%swap3A] {strides = array<i32>} : memref<40064xi32, #tpu.memory_space<vmem>>, vector<16xi32>,
              tpu.vector_store %arg5[%swap3A], %bitcast3A_156 {strides = array<i32>} : memref<40064xi32, #tpu.memory_space<vmem>>, vector<16xi32>,
              %get3A_158 = arith.constant 1 : i32
              %get3A_159 = arith.index_cast %get3A_158 : i32 to index
              %get3A_160 = arith.index_cast %scan3A_134 : i32 to index
              %get3A_161 = arith.constant 16 : index
              %get3A_162 = tpu.vector_load %arg10[%get3A_159, %get3A_160, %get3A_161] {strides = array<i32>} : memref<2x32x128xi32, #tpu.memory_space<vmem>>, vector<16xi32>,
              %bitcast3A_163 = vector.bitcast %get3A_162 : vector<16xi32> to vector<32xbf16>
              %add3A_164 = arith.constant 16 : i32
              %add3A_165 = arith.addi %mul3A_144, %add3A_164 : i32
              %get3A_166 = arith.index_cast %add3A_165 : i32 to index
              %get3A_167 = tpu.vector_load %arg5[%get3A_166] {strides = array<i32>} : memref<40064xi32, #tpu.memory_space<vmem>>, vector<16xi32>,
              %bitcast3A_168 = vector.bitcast %get3A_167 : vector<16xi32> to vector<32xbf16>
              %min3A_169 = arith.minimumf %bitcast3A_168, %bitcast3A_163 : vector<32xbf16>
              %bitcast3A_170 = vector.bitcast %min3A_169 : vector<32xbf16> to vector<16xi32>
              %swap3A_171 = arith.index_cast %add3A_165 : i32 to index
              %swap3A_172 = tpu.vector_load %arg5[%swap3A_171] {strides = array<i32>} : memref<40064xi32, #tpu.memory_space<vmem>>, vector<16xi32>,
              tpu.vector_store %arg5[%swap3A_171], %bitcast3A_170 {strides = array<i32>} : memref<40064xi32, #tpu.memory_space<vmem>>, vector<16xi32>,
              %get3A_173 = arith.constant 1 : i32
              %get3A_174 = arith.index_cast %get3A_173 : i32 to index
              %get3A_175 = arith.index_cast %scan3A_134 : i32 to index
              %get3A_176 = arith.constant 32 : index
              %get3A_177 = tpu.vector_load %arg10[%get3A_174, %get3A_175, %get3A_176] {strides = array<i32>} : memref<2x32x128xi32, #tpu.memory_space<vmem>>, vector<16xi32>,
              %bitcast3A_178 = vector.bitcast %get3A_177 : vector<16xi32> to vector<32xbf16>
              %add3A_179 = arith.constant 32 : i32
              %add3A_180 = arith.addi %mul3A_144, %add3A_179 : i32
              %get3A_181 = arith.index_cast %add3A_180 : i32 to index
              %get3A_182 = tpu.vector_load %arg5[%get3A_181] {strides = array<i32>} : memref<40064xi32, #tpu.memory_space<vmem>>, vector<16xi32>,
              %bitcast3A_183 = vector.bitcast %get3A_182 : vector<16xi32> to vector<32xbf16>
              %min3A_184 = arith.minimumf %bitcast3A_183, %bitcast3A_178 : vector<32xbf16>
              %bitcast3A_185 = vector.bitcast %min3A_184 : vector<32xbf16> to vector<16xi32>
              %swap3A_186 = arith.index_cast %add3A_180 : i32 to index
              %swap3A_187 = tpu.vector_load %arg5[%swap3A_186] {strides = array<i32>} : memref<40064xi32, #tpu.memory_space<vmem>>, vector<16xi32>,
              tpu.vector_store %arg5[%swap3A_186], %bitcast3A_185 {strides = array<i32>} : memref<40064xi32, #tpu.memory_space<vmem>>, vector<16xi32>,
              %get3A_188 = arith.constant 1 : i32
              %get3A_189 = arith.index_cast %get3A_188 : i32 to index
              %get3A_190 = arith.index_cast %scan3A_134 : i32 to index
              %get3A_191 = arith.constant 48 : index
              %get3A_192 = tpu.vector_load %arg10[%get3A_189, %get3A_190, %get3A_191] {strides = array<i32>} : memref<2x32x128xi32, #tpu.memory_space<vmem>>, vector<16xi32>,
              %bitcast3A_193 = vector.bitcast %get3A_192 : vector<16xi32> to vector<32xbf16>
              %add3A_194 = arith.constant 48 : i32
              %add3A_195 = arith.addi %mul3A_144, %add3A_194 : i32
              %get3A_196 = arith.index_cast %add3A_195 : i32 to index
              %get3A_197 = tpu.vector_load %arg5[%get3A_196] {strides = array<i32>} : memref<40064xi32, #tpu.memory_space<vmem>>, vector<16xi32>,
              %bitcast3A_198 = vector.bitcast %get3A_197 : vector<16xi32> to vector<32xbf16>
              %min3A_199 = arith.minimumf %bitcast3A_198, %bitcast3A_193 : vector<32xbf16>
              %bitcast3A_200 = vector.bitcast %min3A_199 : vector<32xbf16> to vector<16xi32>
              %swap3A_201 = arith.index_cast %add3A_195 : i32 to index
              %swap3A_202 = tpu.vector_load %arg5[%swap3A_201] {strides = array<i32>} : memref<40064xi32, #tpu.memory_space<vmem>>, vector<16xi32>,
              tpu.vector_store %arg5[%swap3A_201], %bitcast3A_200 {strides = array<i32>} : memref<40064xi32, #tpu.memory_space<vmem>>, vector<16xi32>,
              %get3A_203 = arith.constant 1 : i32
              %get3A_204 = arith.index_cast %get3A_203 : i32 to index
              %get3A_205 = arith.index_cast %scan3A_134 : i32 to index
              %get3A_206 = arith.constant 64 : index
              %get3A_207 = tpu.vector_load %arg10[%get3A_204, %get3A_205, %get3A_206] {strides = array<i32>} : memref<2x32x128xi32, #tpu.memory_space<vmem>>, vector<16xi32>,
              %bitcast3A_208 = vector.bitcast %get3A_207 : vector<16xi32> to vector<32xbf16>
              %add3A_209 = arith.constant 64 : i32
              %add3A_210 = arith.addi %mul3A_144, %add3A_209 : i32
              %get3A_211 = arith.index_cast %add3A_210 : i32 to index
              %get3A_212 = tpu.vector_load %arg5[%get3A_211] {strides = array<i32>} : memref<40064xi32, #tpu.memory_space<vmem>>, vector<16xi32>,
              %bitcast3A_213 = vector.bitcast %get3A_212 : vector<16xi32> to vector<32xbf16>
              %min3A_214 = arith.minimumf %bitcast3A_213, %bitcast3A_208 : vector<32xbf16>
              %bitcast3A_215 = vector.bitcast %min3A_214 : vector<32xbf16> to vector<16xi32>
              %swap3A_216 = arith.index_cast %add3A_210 : i32 to index
              %swap3A_217 = tpu.vector_load %arg5[%swap3A_216] {strides = array<i32>} : memref<40064xi32, #tpu.memory_space<vmem>>, vector<16xi32>,
              tpu.vector_store %arg5[%swap3A_216], %bitcast3A_215 {strides = array<i32>} : memref<40064xi32, #tpu.memory_space<vmem>>, vector<16xi32>,
              %get3A_218 = arith.constant 1 : i32
              %get3A_219 = arith.index_cast %get3A_218 : i32 to index
              %get3A_220 = arith.index_cast %scan3A_134 : i32 to index
              %get3A_221 = arith.constant 80 : index
              %get3A_222 = tpu.vector_load %arg10[%get3A_219, %get3A_220, %get3A_221] {strides = array<i32>} : memref<2x32x128xi32, #tpu.memory_space<vmem>>, vector<16xi32>,
              %bitcast3A_223 = vector.bitcast %get3A_222 : vector<16xi32> to vector<32xbf16>
              %add3A_224 = arith.constant 80 : i32
              %add3A_225 = arith.addi %mul3A_144, %add3A_224 : i32
              %get3A_226 = arith.index_cast %add3A_225 : i32 to index
              %get3A_227 = tpu.vector_load %arg5[%get3A_226] {strides = array<i32>} : memref<40064xi32, #tpu.memory_space<vmem>>, vector<16xi32>,
              %bitcast3A_228 = vector.bitcast %get3A_227 : vector<16xi32> to vector<32xbf16>
              %min3A_229 = arith.minimumf %bitcast3A_228, %bitcast3A_223 : vector<32xbf16>
              %bitcast3A_230 = vector.bitcast %min3A_229 : vector<32xbf16> to vector<16xi32>
              %swap3A_231 = arith.index_cast %add3A_225 : i32 to index
              %swap3A_232 = tpu.vector_load %arg5[%swap3A_231] {strides = array<i32>} : memref<40064xi32, #tpu.memory_space<vmem>>, vector<16xi32>,
              tpu.vector_store %arg5[%swap3A_231], %bitcast3A_230 {strides = array<i32>} : memref<40064xi32, #tpu.memory_space<vmem>>, vector<16xi32>,
              %get3A_233 = arith.constant 1 : i32
              %get3A_234 = arith.index_cast %get3A_233 : i32 to index
              %get3A_235 = arith.index_cast %scan3A_134 : i32 to index
              %get3A_236 = arith.constant 96 : index
              %get3A_237 = tpu.vector_load %arg10[%get3A_234, %get3A_235, %get3A_236] {strides = array<i32>} : memref<2x32x128xi32, #tpu.memory_space<vmem>>, vector<16xi32>,
              %bitcast3A_238 = vector.bitcast %get3A_237 : vector<16xi32> to vector<32xbf16>
              %add3A_239 = arith.constant 96 : i32
              %add3A_240 = arith.addi %mul3A_144, %add3A_239 : i32
              %get3A_241 = arith.index_cast %add3A_240 : i32 to index
              %get3A_242 = tpu.vector_load %arg5[%get3A_241] {strides = array<i32>} : memref<40064xi32, #tpu.memory_space<vmem>>, vector<16xi32>,
              %bitcast3A_243 = vector.bitcast %get3A_242 : vector<16xi32> to vector<32xbf16>
              %min3A_244 = arith.minimumf %bitcast3A_243, %bitcast3A_238 : vector<32xbf16>
              %bitcast3A_245 = vector.bitcast %min3A_244 : vector<32xbf16> to vector<16xi32>
              %swap3A_246 = arith.index_cast %add3A_240 : i32 to index
              %swap3A_247 = tpu.vector_load %arg5[%swap3A_246] {strides = array<i32>} : memref<40064xi32, #tpu.memory_space<vmem>>, vector<16xi32>,
              tpu.vector_store %arg5[%swap3A_246], %bitcast3A_245 {strides = array<i32>} : memref<40064xi32, #tpu.memory_space<vmem>>, vector<16xi32>,
              %get3A_248 = arith.constant 1 : i32
              %get3A_249 = arith.index_cast %get3A_248 : i32 to index
              %get3A_250 = arith.index_cast %scan3A_134 : i32 to index
              %get3A_251 = arith.constant 112 : index
              %get3A_252 = tpu.vector_load %arg10[%get3A_249, %get3A_250, %get3A_251] {strides = array<i32>} : memref<2x32x128xi32, #tpu.memory_space<vmem>>, vector<16xi32>,
              %bitcast3A_253 = vector.bitcast %get3A_252 : vector<16xi32> to vector<32xbf16>
              %add3A_254 = arith.constant 112 : i32
              %add3A_255 = arith.addi %mul3A_144, %add3A_254 : i32
              %get3A_256 = arith.index_cast %add3A_255 : i32 to index
              %get3A_257 = tpu.vector_load %arg5[%get3A_256] {strides = array<i32>} : memref<40064xi32, #tpu.memory_space<vmem>>, vector<16xi32>,
              %bitcast3A_258 = vector.bitcast %get3A_257 : vector<16xi32> to vector<32xbf16>
              %min3A_259 = arith.minimumf %bitcast3A_258, %bitcast3A_253 : vector<32xbf16>
              %bitcast3A_260 = vector.bitcast %min3A_259 : vector<32xbf16> to vector<16xi32>
              %swap3A_261 = arith.index_cast %add3A_255 : i32 to index
              %swap3A_262 = tpu.vector_load %arg5[%swap3A_261] {strides = array<i32>} : memref<40064xi32, #tpu.memory_space<vmem>>, vector<16xi32>,
              tpu.vector_store %arg5[%swap3A_261], %bitcast3A_260 {strides = array<i32>} : memref<40064xi32, #tpu.memory_space<vmem>>, vector<16xi32>,
            } else {
            }
          }
          %scan3A_133 = arith.constant 32 : i32
        } else {
        }
      }
      %while3A_67 = arith.constant 1 : i32
      scf.for %while3A_68 = %while3A_65 to %while3A_61 step %while3A_67  : i32 {
        %mul3A_69 = arith.constant 32 : i32
        %mul3A_70 = arith.muli %while3A_68, %mul3A_69 : i32
        %sub3A_71 = arith.subi %scan3A_35, %mul3A_70 : i32
        %jit3A_72 = arith.constant 2 : i32
        %eq3A = arith.constant 0 : i32
        %eq3A_73 = arith.cmpi eq, %jit3A_72, %eq3A : i32
        %jit3A_74 = arith.constant 1 : i32
        %select_n3A_75 = arith.select %eq3A_73, %jit3A_74, %jit3A_72 : i32
        %rem3A_76 = arith.remsi %while3A_68, %select_n3A_75 : i32
        %ne3A_77 = arith.constant 0 : i32
        %ne3A_78 = arith.cmpi ne, %rem3A_76, %ne3A_77 : i32
        %lt3A = arith.constant 0 : i32
        %lt3A_79 = arith.cmpi slt, %rem3A_76, %lt3A : i32
        %lt3A_80 = arith.constant 0 : i32
        %lt3A_81 = arith.cmpi slt, %select_n3A_75, %lt3A_80 : i32
        %ne3A_82 = arith.xori %lt3A_79, %lt3A_81 : i1
        %and3A_83 = arith.andi %ne3A_82, %ne3A_78 : i1
        %add3A_84 = arith.addi %rem3A_76, %select_n3A_75 : i32
        %select_n3A_85 = arith.select %and3A_83, %add3A_84, %rem3A_76 : i32
        %eq3A_86 = arith.constant 0 : i32
        %eq3A_87 = arith.cmpi eq, %select_n3A_85, %eq3A_86 : i32
        %convert_element_type3A_88 = arith.extui %eq3A_87 : i1 to i32
        %cond3A_89 = arith.constant 0 : i32
        %cond3A_90 = arith.cmpi ne, %convert_element_type3A_88, %cond3A_89 : i32
        scf.if %cond3A_90 {
          %mul3A_112 = arith.constant 32 : i32
          %mul3A_113 = arith.muli %while3A_68, %mul3A_112 : i32
          %dma_wait3A = arith.constant 0 : i32
          %dma_wait3A_114 = arith.constant 0 : i32
          %dma_wait3A_115 = arith.constant 0 : i32
          %dma_wait3A_116 = tpu.memref_slice %arg10[%dma_wait3A, %dma_wait3A_114, %dma_wait3A_115] : memref<2x32x128xi32, #tpu.memory_space<vmem>> -> memref<1x32x128xi32, #tpu.memory_space<vmem>>
          %dma_wait3A_117 = tpu.memref_squeeze %dma_wait3A_116 : memref<1x32x128xi32, #tpu.memory_space<vmem>> -> memref<32x128xi32, #tpu.memory_space<vmem>>
          %dma_wait3A_118 = tpu.memref_slice %arg8[%mul3A_113] : memref<3216xi32, #tpu.memory_space<vmem>> -> memref<32xi32, #tpu.memory_space<vmem>>
          %dma_wait3A_119 = arith.constant 0 : i32
          %dma_wait3A_120 = arith.constant 0 : i32
          %dma_wait3A_121 = tpu.memref_slice %arg3[%dma_wait3A_119, %dma_wait3A_120] : memref<10000x128xi32, #tpu.memory_space<hbm>> -> memref<10000x128xi32, #tpu.memory_space<hbm>>
          tpu.wait_indirect_dma semaphore(%arg11 : memref<!tpu.dma_semaphore, #tpu.memory_space<semaphore_mem>>) src(%dma_wait3A_121 : memref<10000x128xi32, #tpu.memory_space<hbm>>) dst(%dma_wait3A_117 : memref<32x128xi32, #tpu.memory_space<vmem>>)
          %add3A_122 = arith.constant 1 : i32
          %add3A_123 = arith.addi %while3A_68, %add3A_122 : i32
          %lt3A_124 = arith.cmpi slt, %add3A_123, %select_n3A : i32
          %convert_element_type3A_125 = arith.extui %lt3A_124 : i1 to i32
          %cond3A_126 = arith.constant 0 : i32
          %cond3A_127 = arith.cmpi ne, %convert_element_type3A_125, %cond3A_126 : i32
          scf.if %cond3A_127 {
            %add3A_134 = arith.constant 1 : i32
            %add3A_135 = arith.addi %while3A_68, %add3A_134 : i32
            %mul3A_136 = arith.constant 32 : i32
            %mul3A_137 = arith.muli %add3A_135, %mul3A_136 : i32
            %dma_start3A = arith.constant 1 : i32
            %dma_start3A_138 = arith.constant 0 : i32
            %dma_start3A_139 = arith.constant 0 : i32
            %dma_start3A_140 = tpu.memref_slice %arg10[%dma_start3A, %dma_start3A_138, %dma_start3A_139] : memref<2x32x128xi32, #tpu.memory_space<vmem>> -> memref<1x32x128xi32, #tpu.memory_space<vmem>>
            %dma_start3A_141 = tpu.memref_squeeze %dma_start3A_140 : memref<1x32x128xi32, #tpu.memory_space<vmem>> -> memref<32x128xi32, #tpu.memory_space<vmem>>
            %dma_start3A_142 = tpu.memref_slice %arg8[%mul3A_137] : memref<3216xi32, #tpu.memory_space<vmem>> -> memref<32xi32, #tpu.memory_space<vmem>>
            %dma_start3A_143 = arith.constant 0 : i32
            %dma_start3A_144 = arith.constant 0 : i32
            %dma_start3A_145 = tpu.memref_slice %arg3[%dma_start3A_143, %dma_start3A_144] : memref<10000x128xi32, #tpu.memory_space<hbm>> -> memref<10000x128xi32, #tpu.memory_space<hbm>>
            tpu.enqueue_indirect_dma source(%dma_start3A_145 : memref<10000x128xi32, #tpu.memory_space<hbm>>) target(%dma_start3A_141 : memref<32x128xi32, #tpu.memory_space<vmem>>) offsets(%dma_start3A_142 : memref<32xi32, #tpu.memory_space<vmem>>) semaphore(%arg12 : memref<!tpu.dma_semaphore, #tpu.memory_space<semaphore_mem>>)
          } else {
          }
          %scan3A_128 = arith.constant 0 : i32
          %scan3A_129 = arith.constant 0 : i32
          %scan3A_130 = arith.constant 32 : i32
          %scan3A_131 = arith.addi %scan3A_129, %scan3A_130 : i32
          %scan3A_132 = arith.constant 1 : i32
          scf.for %scan3A_134 = %scan3A_129 to %scan3A_131 step %scan3A_132  : i32 {
            %lt3A_135 = arith.cmpi slt, %scan3A_134, %sub3A_71 : i32
            %convert_element_type3A_136 = arith.extui %lt3A_135 : i1 to i32
            %cond3A_137 = arith.constant 0 : i32
            %cond3A_138 = arith.cmpi ne, %convert_element_type3A_136, %cond3A_137 : i32
            scf.if %cond3A_138 {
              %mul3A_139 = arith.constant 32 : i32
              %mul3A_140 = arith.muli %while3A_68, %mul3A_139 : i32
              %add3A_141 = arith.addi %mul3A_140, %scan3A_134 : i32
              %get3A = arith.index_cast %add3A_141 : i32 to index
              %get3A_142 = tpu.vector_load %arg9[%get3A] {strides = array<i32>} : memref<3216xi32, #tpu.memory_space<vmem>>, vector<16xi32>,
              %slice3A = vector.extract_strided_slice %get3A_142 {offsets = [0], sizes = [1], strides = [1]} : vector<16xi32> to vector<1xi32>
              %squeeze3A = vector.extract %slice3A[0] : i32 from vector<1xi32>
              %mul3A_143 = arith.constant 128 : i32
              %mul3A_144 = arith.muli %squeeze3A, %mul3A_143 : i32
              %get3A_145 = arith.constant 0 : i32
              %get3A_146 = arith.index_cast %get3A_145 : i32 to index
              %get3A_147 = arith.index_cast %scan3A_134 : i32 to index
              %get3A_148 = arith.constant 0 : index
              %get3A_149 = tpu.vector_load %arg10[%get3A_146, %get3A_147, %get3A_148] {strides = array<i32>} : memref<2x32x128xi32, #tpu.memory_space<vmem>>, vector<16xi32>,
              %bitcast3A_150 = vector.bitcast %get3A_149 : vector<16xi32> to vector<32xbf16>
              %add3A_151 = arith.constant 0 : i32
              %add3A_152 = arith.addi %mul3A_144, %add3A_151 : i32
              %get3A_153 = arith.index_cast %add3A_152 : i32 to index
              %get3A_154 = tpu.vector_load %arg5[%get3A_153] {strides = array<i32>} : memref<40064xi32, #tpu.memory_space<vmem>>, vector<16xi32>,
              %bitcast3A_155 = vector.bitcast %get3A_154 : vector<16xi32> to vector<32xbf16>
              %min3A = arith.minimumf %bitcast3A_155, %bitcast3A_150 : vector<32xbf16>
              %bitcast3A_156 = vector.bitcast %min3A : vector<32xbf16> to vector<16xi32>
              %swap3A = arith.index_cast %add3A_152 : i32 to index
              %swap3A_157 = tpu.vector_load %arg5[%swap3A] {strides = array<i32>} : memref<40064xi32, #tpu.memory_space<vmem>>, vector<16xi32>,
              tpu.vector_store %arg5[%swap3A], %bitcast3A_156 {strides = array<i32>} : memref<40064xi32, #tpu.memory_space<vmem>>, vector<16xi32>,
              %get3A_158 = arith.constant 0 : i32
              %get3A_159 = arith.index_cast %get3A_158 : i32 to index
              %get3A_160 = arith.index_cast %scan3A_134 : i32 to index
              %get3A_161 = arith.constant 16 : index
              %get3A_162 = tpu.vector_load %arg10[%get3A_159, %get3A_160, %get3A_161] {strides = array<i32>} : memref<2x32x128xi32, #tpu.memory_space<vmem>>, vector<16xi32>,
              %bitcast3A_163 = vector.bitcast %get3A_162 : vector<16xi32> to vector<32xbf16>
              %add3A_164 = arith.constant 16 : i32
              %add3A_165 = arith.addi %mul3A_144, %add3A_164 : i32
              %get3A_166 = arith.index_cast %add3A_165 : i32 to index
              %get3A_167 = tpu.vector_load %arg5[%get3A_166] {strides = array<i32>} : memref<40064xi32, #tpu.memory_space<vmem>>, vector<16xi32>,
              %bitcast3A_168 = vector.bitcast %get3A_167 : vector<16xi32> to vector<32xbf16>
              %min3A_169 = arith.minimumf %bitcast3A_168, %bitcast3A_163 : vector<32xbf16>
              %bitcast3A_170 = vector.bitcast %min3A_169 : vector<32xbf16> to vector<16xi32>
              %swap3A_171 = arith.index_cast %add3A_165 : i32 to index
              %swap3A_172 = tpu.vector_load %arg5[%swap3A_171] {strides = array<i32>} : memref<40064xi32, #tpu.memory_space<vmem>>, vector<16xi32>,
              tpu.vector_store %arg5[%swap3A_171], %bitcast3A_170 {strides = array<i32>} : memref<40064xi32, #tpu.memory_space<vmem>>, vector<16xi32>,
              %get3A_173 = arith.constant 0 : i32
              %get3A_174 = arith.index_cast %get3A_173 : i32 to index
              %get3A_175 = arith.index_cast %scan3A_134 : i32 to index
              %get3A_176 = arith.constant 32 : index
              %get3A_177 = tpu.vector_load %arg10[%get3A_174, %get3A_175, %get3A_176] {strides = array<i32>} : memref<2x32x128xi32, #tpu.memory_space<vmem>>, vector<16xi32>,
              %bitcast3A_178 = vector.bitcast %get3A_177 : vector<16xi32> to vector<32xbf16>
              %add3A_179 = arith.constant 32 : i32
              %add3A_180 = arith.addi %mul3A_144, %add3A_179 : i32
              %get3A_181 = arith.index_cast %add3A_180 : i32 to index
              %get3A_182 = tpu.vector_load %arg5[%get3A_181] {strides = array<i32>} : memref<40064xi32, #tpu.memory_space<vmem>>, vector<16xi32>,
              %bitcast3A_183 = vector.bitcast %get3A_182 : vector<16xi32> to vector<32xbf16>
              %min3A_184 = arith.minimumf %bitcast3A_183, %bitcast3A_178 : vector<32xbf16>
              %bitcast3A_185 = vector.bitcast %min3A_184 : vector<32xbf16> to vector<16xi32>
              %swap3A_186 = arith.index_cast %add3A_180 : i32 to index
              %swap3A_187 = tpu.vector_load %arg5[%swap3A_186] {strides = array<i32>} : memref<40064xi32, #tpu.memory_space<vmem>>, vector<16xi32>,
              tpu.vector_store %arg5[%swap3A_186], %bitcast3A_185 {strides = array<i32>} : memref<40064xi32, #tpu.memory_space<vmem>>, vector<16xi32>,
              %get3A_188 = arith.constant 0 : i32
              %get3A_189 = arith.index_cast %get3A_188 : i32 to index
              %get3A_190 = arith.index_cast %scan3A_134 : i32 to index
              %get3A_191 = arith.constant 48 : index
              %get3A_192 = tpu.vector_load %arg10[%get3A_189, %get3A_190, %get3A_191] {strides = array<i32>} : memref<2x32x128xi32, #tpu.memory_space<vmem>>, vector<16xi32>,
              %bitcast3A_193 = vector.bitcast %get3A_192 : vector<16xi32> to vector<32xbf16>
              %add3A_194 = arith.constant 48 : i32
              %add3A_195 = arith.addi %mul3A_144, %add3A_194 : i32
              %get3A_196 = arith.index_cast %add3A_195 : i32 to index
              %get3A_197 = tpu.vector_load %arg5[%get3A_196] {strides = array<i32>} : memref<40064xi32, #tpu.memory_space<vmem>>, vector<16xi32>,
              %bitcast3A_198 = vector.bitcast %get3A_197 : vector<16xi32> to vector<32xbf16>
              %min3A_199 = arith.minimumf %bitcast3A_198, %bitcast3A_193 : vector<32xbf16>
              %bitcast3A_200 = vector.bitcast %min3A_199 : vector<32xbf16> to vector<16xi32>
              %swap3A_201 = arith.index_cast %add3A_195 : i32 to index
              %swap3A_202 = tpu.vector_load %arg5[%swap3A_201] {strides = array<i32>} : memref<40064xi32, #tpu.memory_space<vmem>>, vector<16xi32>,
              tpu.vector_store %arg5[%swap3A_201], %bitcast3A_200 {strides = array<i32>} : memref<40064xi32, #tpu.memory_space<vmem>>, vector<16xi32>,
              %get3A_203 = arith.constant 0 : i32
              %get3A_204 = arith.index_cast %get3A_203 : i32 to index
              %get3A_205 = arith.index_cast %scan3A_134 : i32 to index
              %get3A_206 = arith.constant 64 : index
              %get3A_207 = tpu.vector_load %arg10[%get3A_204, %get3A_205, %get3A_206] {strides = array<i32>} : memref<2x32x128xi32, #tpu.memory_space<vmem>>, vector<16xi32>,
              %bitcast3A_208 = vector.bitcast %get3A_207 : vector<16xi32> to vector<32xbf16>
              %add3A_209 = arith.constant 64 : i32
              %add3A_210 = arith.addi %mul3A_144, %add3A_209 : i32
              %get3A_211 = arith.index_cast %add3A_210 : i32 to index
              %get3A_212 = tpu.vector_load %arg5[%get3A_211] {strides = array<i32>} : memref<40064xi32, #tpu.memory_space<vmem>>, vector<16xi32>,
              %bitcast3A_213 = vector.bitcast %get3A_212 : vector<16xi32> to vector<32xbf16>
              %min3A_214 = arith.minimumf %bitcast3A_213, %bitcast3A_208 : vector<32xbf16>
              %bitcast3A_215 = vector.bitcast %min3A_214 : vector<32xbf16> to vector<16xi32>
              %swap3A_216 = arith.index_cast %add3A_210 : i32 to index
              %swap3A_217 = tpu.vector_load %arg5[%swap3A_216] {strides = array<i32>} : memref<40064xi32, #tpu.memory_space<vmem>>, vector<16xi32>,
              tpu.vector_store %arg5[%swap3A_216], %bitcast3A_215 {strides = array<i32>} : memref<40064xi32, #tpu.memory_space<vmem>>, vector<16xi32>,
              %get3A_218 = arith.constant 0 : i32
              %get3A_219 = arith.index_cast %get3A_218 : i32 to index
              %get3A_220 = arith.index_cast %scan3A_134 : i32 to index
              %get3A_221 = arith.constant 80 : index
              %get3A_222 = tpu.vector_load %arg10[%get3A_219, %get3A_220, %get3A_221] {strides = array<i32>} : memref<2x32x128xi32, #tpu.memory_space<vmem>>, vector<16xi32>,
              %bitcast3A_223 = vector.bitcast %get3A_222 : vector<16xi32> to vector<32xbf16>
              %add3A_224 = arith.constant 80 : i32
              %add3A_225 = arith.addi %mul3A_144, %add3A_224 : i32
              %get3A_226 = arith.index_cast %add3A_225 : i32 to index
              %get3A_227 = tpu.vector_load %arg5[%get3A_226] {strides = array<i32>} : memref<40064xi32, #tpu.memory_space<vmem>>, vector<16xi32>,
              %bitcast3A_228 = vector.bitcast %get3A_227 : vector<16xi32> to vector<32xbf16>
              %min3A_229 = arith.minimumf %bitcast3A_228, %bitcast3A_223 : vector<32xbf16>
              %bitcast3A_230 = vector.bitcast %min3A_229 : vector<32xbf16> to vector<16xi32>
              %swap3A_231 = arith.index_cast %add3A_225 : i32 to index
              %swap3A_232 = tpu.vector_load %arg5[%swap3A_231] {strides = array<i32>} : memref<40064xi32, #tpu.memory_space<vmem>>, vector<16xi32>,
              tpu.vector_store %arg5[%swap3A_231], %bitcast3A_230 {strides = array<i32>} : memref<40064xi32, #tpu.memory_space<vmem>>, vector<16xi32>,
              %get3A_233 = arith.constant 0 : i32
              %get3A_234 = arith.index_cast %get3A_233 : i32 to index
              %get3A_235 = arith.index_cast %scan3A_134 : i32 to index
              %get3A_236 = arith.constant 96 : index
              %get3A_237 = tpu.vector_load %arg10[%get3A_234, %get3A_235, %get3A_236] {strides = array<i32>} : memref<2x32x128xi32, #tpu.memory_space<vmem>>, vector<16xi32>,
              %bitcast3A_238 = vector.bitcast %get3A_237 : vector<16xi32> to vector<32xbf16>
              %add3A_239 = arith.constant 96 : i32
              %add3A_240 = arith.addi %mul3A_144, %add3A_239 : i32
              %get3A_241 = arith.index_cast %add3A_240 : i32 to index
              %get3A_242 = tpu.vector_load %arg5[%get3A_241] {strides = array<i32>} : memref<40064xi32, #tpu.memory_space<vmem>>, vector<16xi32>,
              %bitcast3A_243 = vector.bitcast %get3A_242 : vector<16xi32> to vector<32xbf16>
              %min3A_244 = arith.minimumf %bitcast3A_243, %bitcast3A_238 : vector<32xbf16>
              %bitcast3A_245 = vector.bitcast %min3A_244 : vector<32xbf16> to vector<16xi32>
              %swap3A_246 = arith.index_cast %add3A_240 : i32 to index
              %swap3A_247 = tpu.vector_load %arg5[%swap3A_246] {strides = array<i32>} : memref<40064xi32, #tpu.memory_space<vmem>>, vector<16xi32>,
              tpu.vector_store %arg5[%swap3A_246], %bitcast3A_245 {strides = array<i32>} : memref<40064xi32, #tpu.memory_space<vmem>>, vector<16xi32>,
              %get3A_248 = arith.constant 0 : i32
              %get3A_249 = arith.index_cast %get3A_248 : i32 to index
              %get3A_250 = arith.index_cast %scan3A_134 : i32 to index
              %get3A_251 = arith.constant 112 : index
              %get3A_252 = tpu.vector_load %arg10[%get3A_249, %get3A_250, %get3A_251] {strides = array<i32>} : memref<2x32x128xi32, #tpu.memory_space<vmem>>, vector<16xi32>,
              %bitcast3A_253 = vector.bitcast %get3A_252 : vector<16xi32> to vector<32xbf16>
              %add3A_254 = arith.constant 112 : i32
              %add3A_255 = arith.addi %mul3A_144, %add3A_254 : i32
              %get3A_256 = arith.index_cast %add3A_255 : i32 to index
              %get3A_257 = tpu.vector_load %arg5[%get3A_256] {strides = array<i32>} : memref<40064xi32, #tpu.memory_space<vmem>>, vector<16xi32>,
              %bitcast3A_258 = vector.bitcast %get3A_257 : vector<16xi32> to vector<32xbf16>
              %min3A_259 = arith.minimumf %bitcast3A_258, %bitcast3A_253 : vector<32xbf16>
              %bitcast3A_260 = vector.bitcast %min3A_259 : vector<32xbf16> to vector<16xi32>
              %swap3A_261 = arith.index_cast %add3A_255 : i32 to index
              %swap3A_262 = tpu.vector_load %arg5[%swap3A_261] {strides = array<i32>} : memref<40064xi32, #tpu.memory_space<vmem>>, vector<16xi32>,
              tpu.vector_store %arg5[%swap3A_261], %bitcast3A_260 {strides = array<i32>} : memref<40064xi32, #tpu.memory_space<vmem>>, vector<16xi32>,
            } else {
            }
          }
          %scan3A_133 = arith.constant 32 : i32
        } else {
        }
        %jit3A_91 = arith.constant 2 : i32
        %eq3A_92 = arith.constant 0 : i32
        %eq3A_93 = arith.cmpi eq, %jit3A_91, %eq3A_92 : i32
        %jit3A_94 = arith.constant 1 : i32
        %select_n3A_95 = arith.select %eq3A_93, %jit3A_94, %jit3A_91 : i32
        %rem3A_96 = arith.remsi %while3A_68, %select_n3A_95 : i32
        %ne3A_97 = arith.constant 0 : i32
        %ne3A_98 = arith.cmpi ne, %rem3A_96, %ne3A_97 : i32
        %lt3A_99 = arith.constant 0 : i32
        %lt3A_100 = arith.cmpi slt, %rem3A_96, %lt3A_99 : i32
        %lt3A_101 = arith.constant 0 : i32
        %lt3A_102 = arith.cmpi slt, %select_n3A_95, %lt3A_101 : i32
        %ne3A_103 = arith.xori %lt3A_100, %lt3A_102 : i1
        %and3A_104 = arith.andi %ne3A_103, %ne3A_98 : i1
        %add3A_105 = arith.addi %rem3A_96, %select_n3A_95 : i32
        %select_n3A_106 = arith.select %and3A_104, %add3A_105, %rem3A_96 : i32
        %eq3A_107 = arith.constant 1 : i32
        %eq3A_108 = arith.cmpi eq, %select_n3A_106, %eq3A_107 : i32
        %convert_element_type3A_109 = arith.extui %eq3A_108 : i1 to i32
        %cond3A_110 = arith.constant 0 : i32
        %cond3A_111 = arith.cmpi ne, %convert_element_type3A_109, %cond3A_110 : i32
        scf.if %cond3A_111 {
          %mul3A_112 = arith.constant 32 : i32
          %mul3A_113 = arith.muli %while3A_68, %mul3A_112 : i32
          %dma_wait3A = arith.constant 1 : i32
          %dma_wait3A_114 = arith.constant 0 : i32
          %dma_wait3A_115 = arith.constant 0 : i32
          %dma_wait3A_116 = tpu.memref_slice %arg10[%dma_wait3A, %dma_wait3A_114, %dma_wait3A_115] : memref<2x32x128xi32, #tpu.memory_space<vmem>> -> memref<1x32x128xi32, #tpu.memory_space<vmem>>
          %dma_wait3A_117 = tpu.memref_squeeze %dma_wait3A_116 : memref<1x32x128xi32, #tpu.memory_space<vmem>> -> memref<32x128xi32, #tpu.memory_space<vmem>>
          %dma_wait3A_118 = tpu.memref_slice %arg8[%mul3A_113] : memref<3216xi32, #tpu.memory_space<vmem>> -> memref<32xi32, #tpu.memory_space<vmem>>
          %dma_wait3A_119 = arith.constant 0 : i32
          %dma_wait3A_120 = arith.constant 0 : i32
          %dma_wait3A_121 = tpu.memref_slice %arg3[%dma_wait3A_119, %dma_wait3A_120] : memref<10000x128xi32, #tpu.memory_space<hbm>> -> memref<10000x128xi32, #tpu.memory_space<hbm>>
          tpu.wait_indirect_dma semaphore(%arg12 : memref<!tpu.dma_semaphore, #tpu.memory_space<semaphore_mem>>) src(%dma_wait3A_121 : memref<10000x128xi32, #tpu.memory_space<hbm>>) dst(%dma_wait3A_117 : memref<32x128xi32, #tpu.memory_space<vmem>>)
          %add3A_122 = arith.constant 1 : i32
          %add3A_123 = arith.addi %while3A_68, %add3A_122 : i32
          %lt3A_124 = arith.cmpi slt, %add3A_123, %select_n3A : i32
          %convert_element_type3A_125 = arith.extui %lt3A_124 : i1 to i32
          %cond3A_126 = arith.constant 0 : i32
          %cond3A_127 = arith.cmpi ne, %convert_element_type3A_125, %cond3A_126 : i32
          scf.if %cond3A_127 {
            %add3A_134 = arith.constant 1 : i32
            %add3A_135 = arith.addi %while3A_68, %add3A_134 : i32
            %mul3A_136 = arith.constant 32 : i32
            %mul3A_137 = arith.muli %add3A_135, %mul3A_136 : i32
            %dma_start3A = arith.constant 0 : i32
            %dma_start3A_138 = arith.constant 0 : i32
            %dma_start3A_139 = arith.constant 0 : i32
            %dma_start3A_140 = tpu.memref_slice %arg10[%dma_start3A, %dma_start3A_138, %dma_start3A_139] : memref<2x32x128xi32, #tpu.memory_space<vmem>> -> memref<1x32x128xi32, #tpu.memory_space<vmem>>
            %dma_start3A_141 = tpu.memref_squeeze %dma_start3A_140 : memref<1x32x128xi32, #tpu.memory_space<vmem>> -> memref<32x128xi32, #tpu.memory_space<vmem>>
            %dma_start3A_142 = tpu.memref_slice %arg8[%mul3A_137] : memref<3216xi32, #tpu.memory_space<vmem>> -> memref<32xi32, #tpu.memory_space<vmem>>
            %dma_start3A_143 = arith.constant 0 : i32
            %dma_start3A_144 = arith.constant 0 : i32
            %dma_start3A_145 = tpu.memref_slice %arg3[%dma_start3A_143, %dma_start3A_144] : memref<10000x128xi32, #tpu.memory_space<hbm>> -> memref<10000x128xi32, #tpu.memory_space<hbm>>
            tpu.enqueue_indirect_dma source(%dma_start3A_145 : memref<10000x128xi32, #tpu.memory_space<hbm>>) target(%dma_start3A_141 : memref<32x128xi32, #tpu.memory_space<vmem>>) offsets(%dma_start3A_142 : memref<32xi32, #tpu.memory_space<vmem>>) semaphore(%arg11 : memref<!tpu.dma_semaphore, #tpu.memory_space<semaphore_mem>>)
          } else {
          }
          %scan3A_128 = arith.constant 0 : i32
          %scan3A_129 = arith.constant 0 : i32
          %scan3A_130 = arith.constant 32 : i32
          %scan3A_131 = arith.addi %scan3A_129, %scan3A_130 : i32
          %scan3A_132 = arith.constant 1 : i32
          scf.for %scan3A_134 = %scan3A_129 to %scan3A_131 step %scan3A_132  : i32 {
            %lt3A_135 = arith.cmpi slt, %scan3A_134, %sub3A_71 : i32
            %convert_element_type3A_136 = arith.extui %lt3A_135 : i1 to i32
            %cond3A_137 = arith.constant 0 : i32
            %cond3A_138 = arith.cmpi ne, %convert_element_type3A_136, %cond3A_137 : i32
            scf.if %cond3A_138 {
              %mul3A_139 = arith.constant 32 : i32
              %mul3A_140 = arith.muli %while3A_68, %mul3A_139 : i32
              %add3A_141 = arith.addi %mul3A_140, %scan3A_134 : i32
              %get3A = arith.index_cast %add3A_141 : i32 to index
              %get3A_142 = tpu.vector_load %arg9[%get3A] {strides = array<i32>} : memref<3216xi32, #tpu.memory_space<vmem>>, vector<16xi32>,
              %slice3A = vector.extract_strided_slice %get3A_142 {offsets = [0], sizes = [1], strides = [1]} : vector<16xi32> to vector<1xi32>
              %squeeze3A = vector.extract %slice3A[0] : i32 from vector<1xi32>
              %mul3A_143 = arith.constant 128 : i32
              %mul3A_144 = arith.muli %squeeze3A, %mul3A_143 : i32
              %get3A_145 = arith.constant 1 : i32
              %get3A_146 = arith.index_cast %get3A_145 : i32 to index
              %get3A_147 = arith.index_cast %scan3A_134 : i32 to index
              %get3A_148 = arith.constant 0 : index
              %get3A_149 = tpu.vector_load %arg10[%get3A_146, %get3A_147, %get3A_148] {strides = array<i32>} : memref<2x32x128xi32, #tpu.memory_space<vmem>>, vector<16xi32>,
              %bitcast3A_150 = vector.bitcast %get3A_149 : vector<16xi32> to vector<32xbf16>
              %add3A_151 = arith.constant 0 : i32
              %add3A_152 = arith.addi %mul3A_144, %add3A_151 : i32
              %get3A_153 = arith.index_cast %add3A_152 : i32 to index
              %get3A_154 = tpu.vector_load %arg5[%get3A_153] {strides = array<i32>} : memref<40064xi32, #tpu.memory_space<vmem>>, vector<16xi32>,
              %bitcast3A_155 = vector.bitcast %get3A_154 : vector<16xi32> to vector<32xbf16>
              %min3A = arith.minimumf %bitcast3A_155, %bitcast3A_150 : vector<32xbf16>
              %bitcast3A_156 = vector.bitcast %min3A : vector<32xbf16> to vector<16xi32>
              %swap3A = arith.index_cast %add3A_152 : i32 to index
              %swap3A_157 = tpu.vector_load %arg5[%swap3A] {strides = array<i32>} : memref<40064xi32, #tpu.memory_space<vmem>>, vector<16xi32>,
              tpu.vector_store %arg5[%swap3A], %bitcast3A_156 {strides = array<i32>} : memref<40064xi32, #tpu.memory_space<vmem>>, vector<16xi32>,
              %get3A_158 = arith.constant 1 : i32
              %get3A_159 = arith.index_cast %get3A_158 : i32 to index
              %get3A_160 = arith.index_cast %scan3A_134 : i32 to index
              %get3A_161 = arith.constant 16 : index
              %get3A_162 = tpu.vector_load %arg10[%get3A_159, %get3A_160, %get3A_161] {strides = array<i32>} : memref<2x32x128xi32, #tpu.memory_space<vmem>>, vector<16xi32>,
              %bitcast3A_163 = vector.bitcast %get3A_162 : vector<16xi32> to vector<32xbf16>
              %add3A_164 = arith.constant 16 : i32
              %add3A_165 = arith.addi %mul3A_144, %add3A_164 : i32
              %get3A_166 = arith.index_cast %add3A_165 : i32 to index
              %get3A_167 = tpu.vector_load %arg5[%get3A_166] {strides = array<i32>} : memref<40064xi32, #tpu.memory_space<vmem>>, vector<16xi32>,
              %bitcast3A_168 = vector.bitcast %get3A_167 : vector<16xi32> to vector<32xbf16>
              %min3A_169 = arith.minimumf %bitcast3A_168, %bitcast3A_163 : vector<32xbf16>
              %bitcast3A_170 = vector.bitcast %min3A_169 : vector<32xbf16> to vector<16xi32>
              %swap3A_171 = arith.index_cast %add3A_165 : i32 to index
              %swap3A_172 = tpu.vector_load %arg5[%swap3A_171] {strides = array<i32>} : memref<40064xi32, #tpu.memory_space<vmem>>, vector<16xi32>,
              tpu.vector_store %arg5[%swap3A_171], %bitcast3A_170 {strides = array<i32>} : memref<40064xi32, #tpu.memory_space<vmem>>, vector<16xi32>,
              %get3A_173 = arith.constant 1 : i32
              %get3A_174 = arith.index_cast %get3A_173 : i32 to index
              %get3A_175 = arith.index_cast %scan3A_134 : i32 to index
              %get3A_176 = arith.constant 32 : index
              %get3A_177 = tpu.vector_load %arg10[%get3A_174, %get3A_175, %get3A_176] {strides = array<i32>} : memref<2x32x128xi32, #tpu.memory_space<vmem>>, vector<16xi32>,
              %bitcast3A_178 = vector.bitcast %get3A_177 : vector<16xi32> to vector<32xbf16>
              %add3A_179 = arith.constant 32 : i32
              %add3A_180 = arith.addi %mul3A_144, %add3A_179 : i32
              %get3A_181 = arith.index_cast %add3A_180 : i32 to index
              %get3A_182 = tpu.vector_load %arg5[%get3A_181] {strides = array<i32>} : memref<40064xi32, #tpu.memory_space<vmem>>, vector<16xi32>,
              %bitcast3A_183 = vector.bitcast %get3A_182 : vector<16xi32> to vector<32xbf16>
              %min3A_184 = arith.minimumf %bitcast3A_183, %bitcast3A_178 : vector<32xbf16>
              %bitcast3A_185 = vector.bitcast %min3A_184 : vector<32xbf16> to vector<16xi32>
              %swap3A_186 = arith.index_cast %add3A_180 : i32 to index
              %swap3A_187 = tpu.vector_load %arg5[%swap3A_186] {strides = array<i32>} : memref<40064xi32, #tpu.memory_space<vmem>>, vector<16xi32>,
              tpu.vector_store %arg5[%swap3A_186], %bitcast3A_185 {strides = array<i32>} : memref<40064xi32, #tpu.memory_space<vmem>>, vector<16xi32>,
              %get3A_188 = arith.constant 1 : i32
              %get3A_189 = arith.index_cast %get3A_188 : i32 to index
              %get3A_190 = arith.index_cast %scan3A_134 : i32 to index
              %get3A_191 = arith.constant 48 : index
              %get3A_192 = tpu.vector_load %arg10[%get3A_189, %get3A_190, %get3A_191] {strides = array<i32>} : memref<2x32x128xi32, #tpu.memory_space<vmem>>, vector<16xi32>,
              %bitcast3A_193 = vector.bitcast %get3A_192 : vector<16xi32> to vector<32xbf16>
              %add3A_194 = arith.constant 48 : i32
              %add3A_195 = arith.addi %mul3A_144, %add3A_194 : i32
              %get3A_196 = arith.index_cast %add3A_195 : i32 to index
              %get3A_197 = tpu.vector_load %arg5[%get3A_196] {strides = array<i32>} : memref<40064xi32, #tpu.memory_space<vmem>>, vector<16xi32>,
              %bitcast3A_198 = vector.bitcast %get3A_197 : vector<16xi32> to vector<32xbf16>
              %min3A_199 = arith.minimumf %bitcast3A_198, %bitcast3A_193 : vector<32xbf16>
              %bitcast3A_200 = vector.bitcast %min3A_199 : vector<32xbf16> to vector<16xi32>
              %swap3A_201 = arith.index_cast %add3A_195 : i32 to index
              %swap3A_202 = tpu.vector_load %arg5[%swap3A_201] {strides = array<i32>} : memref<40064xi32, #tpu.memory_space<vmem>>, vector<16xi32>,
              tpu.vector_store %arg5[%swap3A_201], %bitcast3A_200 {strides = array<i32>} : memref<40064xi32, #tpu.memory_space<vmem>>, vector<16xi32>,
              %get3A_203 = arith.constant 1 : i32
              %get3A_204 = arith.index_cast %get3A_203 : i32 to index
              %get3A_205 = arith.index_cast %scan3A_134 : i32 to index
              %get3A_206 = arith.constant 64 : index
              %get3A_207 = tpu.vector_load %arg10[%get3A_204, %get3A_205, %get3A_206] {strides = array<i32>} : memref<2x32x128xi32, #tpu.memory_space<vmem>>, vector<16xi32>,
              %bitcast3A_208 = vector.bitcast %get3A_207 : vector<16xi32> to vector<32xbf16>
              %add3A_209 = arith.constant 64 : i32
              %add3A_210 = arith.addi %mul3A_144, %add3A_209 : i32
              %get3A_211 = arith.index_cast %add3A_210 : i32 to index
              %get3A_212 = tpu.vector_load %arg5[%get3A_211] {strides = array<i32>} : memref<40064xi32, #tpu.memory_space<vmem>>, vector<16xi32>,
              %bitcast3A_213 = vector.bitcast %get3A_212 : vector<16xi32> to vector<32xbf16>
              %min3A_214 = arith.minimumf %bitcast3A_213, %bitcast3A_208 : vector<32xbf16>
              %bitcast3A_215 = vector.bitcast %min3A_214 : vector<32xbf16> to vector<16xi32>
              %swap3A_216 = arith.index_cast %add3A_210 : i32 to index
              %swap3A_217 = tpu.vector_load %arg5[%swap3A_216] {strides = array<i32>} : memref<40064xi32, #tpu.memory_space<vmem>>, vector<16xi32>,
              tpu.vector_store %arg5[%swap3A_216], %bitcast3A_215 {strides = array<i32>} : memref<40064xi32, #tpu.memory_space<vmem>>, vector<16xi32>,
              %get3A_218 = arith.constant 1 : i32
              %get3A_219 = arith.index_cast %get3A_218 : i32 to index
              %get3A_220 = arith.index_cast %scan3A_134 : i32 to index
              %get3A_221 = arith.constant 80 : index
              %get3A_222 = tpu.vector_load %arg10[%get3A_219, %get3A_220, %get3A_221] {strides = array<i32>} : memref<2x32x128xi32, #tpu.memory_space<vmem>>, vector<16xi32>,
              %bitcast3A_223 = vector.bitcast %get3A_222 : vector<16xi32> to vector<32xbf16>
              %add3A_224 = arith.constant 80 : i32
              %add3A_225 = arith.addi %mul3A_144, %add3A_224 : i32
              %get3A_226 = arith.index_cast %add3A_225 : i32 to index
              %get3A_227 = tpu.vector_load %arg5[%get3A_226] {strides = array<i32>} : memref<40064xi32, #tpu.memory_space<vmem>>, vector<16xi32>,
              %bitcast3A_228 = vector.bitcast %get3A_227 : vector<16xi32> to vector<32xbf16>
              %min3A_229 = arith.minimumf %bitcast3A_228, %bitcast3A_223 : vector<32xbf16>
              %bitcast3A_230 = vector.bitcast %min3A_229 : vector<32xbf16> to vector<16xi32>
              %swap3A_231 = arith.index_cast %add3A_225 : i32 to index
              %swap3A_232 = tpu.vector_load %arg5[%swap3A_231] {strides = array<i32>} : memref<40064xi32, #tpu.memory_space<vmem>>, vector<16xi32>,
              tpu.vector_store %arg5[%swap3A_231], %bitcast3A_230 {strides = array<i32>} : memref<40064xi32, #tpu.memory_space<vmem>>, vector<16xi32>,
              %get3A_233 = arith.constant 1 : i32
              %get3A_234 = arith.index_cast %get3A_233 : i32 to index
              %get3A_235 = arith.index_cast %scan3A_134 : i32 to index
              %get3A_236 = arith.constant 96 : index
              %get3A_237 = tpu.vector_load %arg10[%get3A_234, %get3A_235, %get3A_236] {strides = array<i32>} : memref<2x32x128xi32, #tpu.memory_space<vmem>>, vector<16xi32>,
              %bitcast3A_238 = vector.bitcast %get3A_237 : vector<16xi32> to vector<32xbf16>
              %add3A_239 = arith.constant 96 : i32
              %add3A_240 = arith.addi %mul3A_144, %add3A_239 : i32
              %get3A_241 = arith.index_cast %add3A_240 : i32 to index
              %get3A_242 = tpu.vector_load %arg5[%get3A_241] {strides = array<i32>} : memref<40064xi32, #tpu.memory_space<vmem>>, vector<16xi32>,
              %bitcast3A_243 = vector.bitcast %get3A_242 : vector<16xi32> to vector<32xbf16>
              %min3A_244 = arith.minimumf %bitcast3A_243, %bitcast3A_238 : vector<32xbf16>
              %bitcast3A_245 = vector.bitcast %min3A_244 : vector<32xbf16> to vector<16xi32>
              %swap3A_246 = arith.index_cast %add3A_240 : i32 to index
              %swap3A_247 = tpu.vector_load %arg5[%swap3A_246] {strides = array<i32>} : memref<40064xi32, #tpu.memory_space<vmem>>, vector<16xi32>,
              tpu.vector_store %arg5[%swap3A_246], %bitcast3A_245 {strides = array<i32>} : memref<40064xi32, #tpu.memory_space<vmem>>, vector<16xi32>,
              %get3A_248 = arith.constant 1 : i32
              %get3A_249 = arith.index_cast %get3A_248 : i32 to index
              %get3A_250 = arith.index_cast %scan3A_134 : i32 to index
              %get3A_251 = arith.constant 112 : index
              %get3A_252 = tpu.vector_load %arg10[%get3A_249, %get3A_250, %get3A_251] {strides = array<i32>} : memref<2x32x128xi32, #tpu.memory_space<vmem>>, vector<16xi32>,
              %bitcast3A_253 = vector.bitcast %get3A_252 : vector<16xi32> to vector<32xbf16>
              %add3A_254 = arith.constant 112 : i32
              %add3A_255 = arith.addi %mul3A_144, %add3A_254 : i32
              %get3A_256 = arith.index_cast %add3A_255 : i32 to index
              %get3A_257 = tpu.vector_load %arg5[%get3A_256] {strides = array<i32>} : memref<40064xi32, #tpu.memory_space<vmem>>, vector<16xi32>,
              %bitcast3A_258 = vector.bitcast %get3A_257 : vector<16xi32> to vector<32xbf16>
              %min3A_259 = arith.minimumf %bitcast3A_258, %bitcast3A_253 : vector<32xbf16>
              %bitcast3A_260 = vector.bitcast %min3A_259 : vector<32xbf16> to vector<16xi32>
              %swap3A_261 = arith.index_cast %add3A_255 : i32 to index
              %swap3A_262 = tpu.vector_load %arg5[%swap3A_261] {strides = array<i32>} : memref<40064xi32, #tpu.memory_space<vmem>>, vector<16xi32>,
              tpu.vector_store %arg5[%swap3A_261], %bitcast3A_260 {strides = array<i32>} : memref<40064xi32, #tpu.memory_space<vmem>>, vector<16xi32>,
            } else {
            }
          }
          %scan3A_133 = arith.constant 32 : i32
        } else {
        }
      }
    }
    %scan3A_22 = arith.constant 50 : i32
    %mul3A_23 = arith.constant 128 : i32
    %mul3A_24 = arith.muli %mul3A_2, %mul3A_23 : i32
    "tpu.region"() ({
      %run_scoped3A = tpu.sem_alloc : memref<!tpu.dma_semaphore, #tpu.memory_space<semaphore_mem>>
      %dma_start3A = tpu.memref_slice %arg4[%mul3A_24] : memref<1282048xi32, #tpu.memory_space<hbm>> -> memref<40064xi32, #tpu.memory_space<hbm>>
      %dma_start3A_25 = tpu.memref_slice %arg4[%mul3A_24] : memref<1282048xi32, #tpu.memory_space<hbm>> -> memref<40064xi32, #tpu.memory_space<hbm>>
      tpu.enqueue_dma source(%arg5 : memref<40064xi32, #tpu.memory_space<vmem>>) target(%dma_start3A_25 : memref<40064xi32, #tpu.memory_space<hbm>>) target_semaphore(%run_scoped3A : memref<!tpu.dma_semaphore, #tpu.memory_space<semaphore_mem>>)
      %dma_wait3A = tpu.memref_slice %arg4[%mul3A_24] : memref<1282048xi32, #tpu.memory_space<hbm>> -> memref<40064xi32, #tpu.memory_space<hbm>>
      %dma_wait3A_26 = tpu.memref_slice %arg4[%mul3A_24] : memref<1282048xi32, #tpu.memory_space<hbm>> -> memref<40064xi32, #tpu.memory_space<hbm>>
      tpu.wait_dma2 semaphore(%run_scoped3A : memref<!tpu.dma_semaphore, #tpu.memory_space<semaphore_mem>>) src(%arg5 : memref<40064xi32, #tpu.memory_space<vmem>>) dst(%dma_wait3A_26 : memref<40064xi32, #tpu.memory_space<hbm>>)
      tpu.yield
    }) : () -> ()
    return
  }
}

module attributes {stable_mosaic.version = 14 : i64} {
  func.func @_mlp_body(%arg0: i32, %arg1: memref<400x256xf32, #tpu.memory_space<vmem>>, %arg2: memref<400x256xbf16, #tpu.memory_space<vmem>>, %arg3: memref<256x512xf32, #tpu.memory_space<vmem>>, %arg4: memref<1x256xf32, #tpu.memory_space<vmem>>, %arg5: memref<400x256xf32, #tpu.memory_space<vmem>>) attributes {dimension_semantics = [#tpu.dimension_semantics<arbitrary>], iteration_bounds = array<i64: 25>, scalar_prefetch = 0 : i64, scratch_operands = 0 : i64, tpu.core_type = #tpu.core_type<tc>, window_params = [{transform_indices = @transform_0, window_bounds = array<i64: 400, 256>}, {transform_indices = @transform_1, window_bounds = array<i64: 400, 256>}, {pipeline_mode = #tpu.pipeline_mode<synchronous>, transform_indices = @transform_2, window_bounds = array<i64: 256, 512>}, {pipeline_mode = #tpu.pipeline_mode<synchronous>, transform_indices = @transform_3, window_bounds = array<i64: 1, 256>}, {transform_indices = @transform_4, window_bounds = array<i64: 400, 256>}]} {
    %get3A = arith.constant 0 : index
    %get3A_0 = arith.constant 0 : index
    %get3A_1 = vector.load %arg1[%get3A, %get3A_0] : memref<400x256xf32, #tpu.memory_space<vmem>>, vector<400x256xf32>
    %get3A_2 = arith.constant 0 : index
    %get3A_3 = arith.constant 0 : index
    %get3A_4 = vector.load %arg2[%get3A_2, %get3A_3] : memref<400x256xbf16, #tpu.memory_space<vmem>>, vector<400x256xbf16>
    %convert_element_type3A = arith.extf %get3A_4 : vector<400x256xbf16> to vector<400x256xf32>
    %gt3A = arith.constant 9.99999968E+37 : f32
    %gt3A_5 = vector.broadcast %gt3A : f32 to vector<400x256xf32>
    %gt3A_6 = arith.cmpf ogt, %convert_element_type3A, %gt3A_5 : vector<400x256xf32>
    %sub3A = arith.subf %get3A_1, %convert_element_type3A : vector<400x256xf32>
    %jit3A = arith.constant 0.000000e+00 : f32
    %broadcast_in_dim3A = vector.broadcast %jit3A : f32 to vector<400x256xf32>
    %select_n3A = arith.select %gt3A_6, %broadcast_in_dim3A, %sub3A : vector<400x256xi1>, vector<400x256xf32>
    %get3A_7 = arith.constant 0 : index
    %get3A_8 = arith.constant 0 : index
    %get3A_9 = vector.load %arg3[%get3A_7, %get3A_8] : memref<256x512xf32, #tpu.memory_space<vmem>>, vector<256x256xf32>
    %get3A_10 = arith.constant 0 : index
    %get3A_11 = arith.constant 256 : index
    %get3A_12 = vector.load %arg3[%get3A_10, %get3A_11] : memref<256x512xf32, #tpu.memory_space<vmem>>, vector<256x256xf32>
    %dot_general3A = arith.constant dense<0.000000e+00> : vector<400x256xf32>
    %dot_general3A_13 = tpu.matmul %get3A_1, %get3A_9, %dot_general3A {dimension_numbers = #tpu.dot_dimension_numbers<[1], [1], [0], [0], [0, 0, 1, 0], [], []>, transpose_lhs_hint = false} : vector<400x256xf32>, vector<256x256xf32>, vector<400x256xf32> -> vector<400x256xf32>
    %dot_general3A_14 = arith.constant dense<0.000000e+00> : vector<400x256xf32>
    %dot_general3A_15 = tpu.matmul %select_n3A, %get3A_12, %dot_general3A_14 {dimension_numbers = #tpu.dot_dimension_numbers<[1], [1], [0], [0], [0, 0, 1, 0], [], []>, transpose_lhs_hint = false} : vector<400x256xf32>, vector<256x256xf32>, vector<400x256xf32> -> vector<400x256xf32>
    %add3A = arith.addf %dot_general3A_13, %dot_general3A_15 : vector<400x256xf32>
    %get3A_16 = arith.constant 0 : index
    %get3A_17 = arith.constant 0 : index
    %get3A_18 = vector.load %arg4[%get3A_16, %get3A_17] : memref<1x256xf32, #tpu.memory_space<vmem>>, vector<1x256xf32>
    %add3A_19 = vector.broadcast %get3A_18 : vector<1x256xf32> to vector<400x256xf32>
    %add3A_20 = arith.addf %add3A, %add3A_19 : vector<400x256xf32>
    %ge3A = arith.constant 0.000000e+00 : f32
    %ge3A_21 = vector.broadcast %ge3A : f32 to vector<400x256xf32>
    %ge3A_22 = arith.cmpf oge, %add3A_20, %ge3A_21 : vector<400x256xf32>
    %mul3A = arith.constant 0.00999999977 : f32
    %mul3A_23 = vector.broadcast %mul3A : f32 to vector<400x256xf32>
    %mul3A_24 = arith.mulf %mul3A_23, %add3A_20 : vector<400x256xf32>
    %select_n3A_25 = arith.select %ge3A_22, %add3A_20, %mul3A_24 : vector<400x256xi1>, vector<400x256xf32>
    %add3A_26 = arith.addf %get3A_1, %select_n3A_25 : vector<400x256xf32>
    %swap3A = arith.constant 0 : index
    %swap3A_27 = arith.constant 0 : index
    %swap3A_28 = vector.load %arg5[%swap3A, %swap3A_27] : memref<400x256xf32, #tpu.memory_space<vmem>>, vector<400x256xf32>
    tpu.vector_store %arg5[%swap3A, %swap3A_27], %add3A_26 {strides = array<i32>} : memref<400x256xf32, #tpu.memory_space<vmem>>, vector<400x256xf32>,
    return
  }
  func.func @transform_0(%arg0: i32) -> (i32, i32) {
    %c0_i32 = arith.constant 0 : i32
    %c0_i32_0 = arith.constant 0 : i32
    return %arg0, %c0_i32 : i32, i32
  }
  func.func @transform_1(%arg0: i32) -> (i32, i32) {
    %c0_i32 = arith.constant 0 : i32
    %c0_i32_0 = arith.constant 0 : i32
    return %arg0, %c0_i32 : i32, i32
  }
  func.func @transform_2(%arg0: i32) -> (i32, i32) {
    %c0_i32 = arith.constant 0 : i32
    %c0_i32_0 = arith.constant 0 : i32
    %c0_i32_1 = arith.constant 0 : i32
    return %c0_i32, %c0_i32_0 : i32, i32
  }
  func.func @transform_3(%arg0: i32) -> (i32, i32) {
    %c0_i32 = arith.constant 0 : i32
    %c0_i32_0 = arith.constant 0 : i32
    %c0_i32_1 = arith.constant 0 : i32
    return %c0_i32, %c0_i32_0 : i32, i32
  }
  func.func @transform_4(%arg0: i32) -> (i32, i32) {
    %c0_i32 = arith.constant 0 : i32
    %c0_i32_0 = arith.constant 0 : i32
    return %arg0, %c0_i32 : i32, i32
  }
}

</mosaic_0001>

<sc_bundles>
// kernel: kernel.4.cloned.1.call-start
scs
__scs_entry_jumppad:
0x0: {  	(pc) =	sbr.rel $0x88, $3  }
0x1: {  	(tag) =	ssettag $0x0;
	lr =	simm.s32 $0x1  }
0x2: {  	[smem:$0x3F9C] =	sst lr;
	_ =	strace $0xD0000000  }
0x3: {  	_ = 	snop  }
0x4: {  	_ = 	snop  }
0x5: {  	_ = 	snop  }
0x6: {  	_ = 	snop  }
0x7: {  	_ = 	snop  }
__scs_overlays_trampoline_lowered:
0x8: {  	[smem:$0x3FAB] =	sst s0  }
0x9: {  	[smem:$0x3FAC] =	sst s1  }
0xa: {  	[smem:$0x3FAD] =	sst s2  }
0xb: {  	[smem:$0x3FAE] =	sst s3  }
0xc: {  	[smem:$0x3FAF] =	sst s4  }
0xd: {  	[smem:$0x3FB0] =	sst s5  }
0xe: {  	[smem:$0x3FB1] =	sst s6  }
0xf: {  	[smem:$0x3FB2] =	sst s7  }
0x10: {  	[smem:$0x3FB3] =	sst s8  }
0x11: {  	[smem:$0x3FB4] =	sst s9;
	s0 =	simm.s32 @!p0 $0x0  }
0x12: {  	s1 =	sld [smem:$0x3F9A];
	s0 =	simm.s32 @p0 $0x1  }
0x13: {  	[smem:$0x3FB5] =	sst s0;
	s0 =	simm.s32 @!p1 $0x0  }
0x14: {  	s2 =	sld [smem:$0x3F99];
	s0 =	simm.s32 @p1 $0x1  }
0x15: {  	[smem:$0x3FB6] =	sst s0;
	s0 =	simm.s32 @!p2 $0x0  }
0x16: {  	s3 =	sld [smem:$0x3FDB];
	s0 =	simm.s32 @p2 $0x1  }
0x17: {  	s4 =	simm.s32 $0x1BF5;
	[smem:$0x3FB8] =	sst s0  }
0x18: {  	s0 =	sld [smem:$0x3F9B];
	_ =	swait.ge [sflag:s4], $0x0  }
0x19: {  	s7 =	sld [smem:$0x3F9C]  }
0x1a: {  	s8 =	sadd.s32 $0xFFFFE003, lr  }
0x1b: {  	s9 =	sadd.s32 $0xFFFFFEF7, lr;
	s5 =	simm.s32 $0xFFFFFFFF;
	p2 =	slt.u32 s8, $0xFFFFF086  }
0x1c: {  	p1 =	slt.u32 s9, $0xF7A;
	s5 =	simm.s32 @!p2 $0x0  }
0x1d: {  	s5 =	simm.s32 @p1 $0x1;
	p0 =	seq.s32 s7, s2  }
0x1e: {  	s7 =	smul.u32 @!p0 $0xF7A, s2;
	p2 =	seq.s32 @!p0 s5, $0x0  }
0x1f: {  	s9 =	smul.u32 $0xF7A, s1;
	s8 =	simm.s32 @!p0 $0x1BF5;
	p2 =	por !p2, p0  }
0x20: {  	[sflag:s8] =	ssyncset.s32 @!p0 $0xFFFFF086;
	s6 =	sadd.s32 @!p0 s3, s7;
	s7 =	simm.s32 @!p0 $0x108  }
0x21: {  	s3 =	sadd.s32 s3, s9;
	s6 =	sadd.s32 @!p0 $0x88, s6;
	s7 =	simm.s32 @p2 $0x1082  }
0x22: {  	[simem:s7], [sflag:s8] =	dma.local @!p0 [hbm:s6], $0xF7A  }
0x23: {  	s9 =	sor.u32 $0xD0000000, s2;
	s6 =	simm.s32 $0x108;
	_ =	swait.ge @!p0 [sflag:s8], $0x0  }
0x24: {  	s3 =	sadd.s32 $0x88, s3;
	s6 =	simm.s32 @!p1 $0x1082;
	[sflag:s4] =	ssyncset.s32 $0xFFFFF086  }
0x25: {  	[simem:s6], [sflag:s4] =	dma.local [hbm:s3], $0xF7A  }
0x26: {  	[smem:$0x3F9C] =	sst s1;
	(tag) =	ssettag s2;
	_ =	strace s9  }
0x27: {  	s1 =	sld [smem:$0x3FAC]  }
0x28: {  	s2 =	sld [smem:$0x3FAD]  }
0x29: {  	s4 =	sld [smem:$0x3FAF]  }
0x2a: {  	p0 =	seq.s32 s5, $0x0;
	s5 =	sld [smem:$0x3FB0]  }
0x2b: {  	s6 =	sld [smem:$0x3FB1]  }
0x2c: {  	s7 =	sld [smem:$0x3FB2]  }
0x2d: {  	s3 =	simm.s32 $0x108;
	s8 =	sld [smem:$0x3FB3]  }
0x2e: {  	s3 =	simm.s32 @!p0 $0x1082;
	s9 =	sld [smem:$0x3FB4]  }
0x2f: {  	lr =	sadd.s32 s0, s3;
	s0 =	sld [smem:$0x3FAB]  }
0x30: {  	s3 =	sld [smem:$0x3FAE]  }
0x31: {  	[smem:$0x3FB7] =	sst s10  }
0x32: {  	s10 =	sld [smem:$0x3FB5];
	_ =	sdelay $0x3  }
0x33: {  	p0 =	seq.s32 s10, $0x1;
	s10 =	sld [smem:$0x3FB7];
	_ =	sdelay $0x3  }
0x34: {  	[smem:$0x3FB7] =	sst s10  }
0x35: {  	s10 =	sld [smem:$0x3FB6];
	_ =	sdelay $0x3  }
0x36: {  	p1 =	seq.s32 s10, $0x1;
	s10 =	sld [smem:$0x3FB7];
	_ =	sdelay $0x3  }
0x37: {  	[smem:$0x3FB7] =	sst s10  }
0x38: {  	s10 =	sld [smem:$0x3FB8]  }
0x39: {  	_ = 	snop;
	(pc) =	sbr.ind lr, $3  }
0x3a: {  	_ = 	snop  }
0x3b: {  	_ = 	snop  }
0x3c: {  	p2 =	seq.s32 s10, $0x1;
	s10 =	sld [smem:$0x3FB7]  }
0x3d: {  	_ =	shalt  }
0x3e: {  	_ =	shalt  }
0x3f: {  	_ =	shalt  }
0x40: {  	_ =	shalt  }
0x41: {  	_ =	shalt  }
0x42: {  	_ =	shalt  }
0x43: {  	_ =	shalt  }
0x44: {  	_ =	shalt  }
0x45: {  	_ =	shalt  }
0x46: {  	_ =	shalt  }
0x47: {  	_ =	shalt  }
0x48: {  	_ =	shalt  }
0x49: {  	_ =	shalt  }
0x4a: {  	_ =	shalt  }
0x4b: {  	_ =	shalt  }
0x4c: {  	_ =	shalt  }
0x4d: {  	_ =	shalt  }
0x4e: {  	_ =	shalt  }
0x4f: {  	_ =	shalt  }
0x50: {  	_ =	shalt  }
0x51: {  	_ =	shalt  }
0x52: {  	_ =	shalt  }
0x53: {  	_ =	shalt  }
0x54: {  	_ =	shalt  }
0x55: {  	_ =	shalt  }
0x56: {  	_ =	shalt  }
0x57: {  	_ =	shalt  }
0x58: {  	_ =	shalt  }
0x59: {  	_ =	shalt  }
0x5a: {  	_ =	shalt  }
0x5b: {  	_ =	shalt  }
0x5c: {  	_ =	shalt  }
0x5d: {  	_ =	shalt  }
0x5e: {  	_ =	shalt  }
0x5f: {  	_ =	shalt  }
0x60: {  	_ =	shalt  }
0x61: {  	_ =	shalt  }
0x62: {  	_ =	shalt  }
0x63: {  	_ =	shalt  }
0x64: {  	_ =	shalt  }
0x65: {  	_ =	shalt  }
0x66: {  	_ =	shalt  }
0x67: {  	_ =	shalt  }
0x68: {  	_ =	shalt  }
0x69: {  	_ =	shalt  }
0x6a: {  	_ =	shalt  }
0x6b: {  	_ =	shalt  }
0x6c: {  	_ =	shalt  }
0x6d: {  	_ =	shalt  }
0x6e: {  	_ =	shalt  }
0x6f: {  	_ =	shalt  }
0x70: {  	_ =	shalt  }
0x71: {  	_ =	shalt  }
0x72: {  	_ =	shalt  }
0x73: {  	_ =	shalt  }
0x74: {  	_ =	shalt  }
0x75: {  	_ =	shalt  }
0x76: {  	_ =	shalt  }
0x77: {  	_ =	shalt  }
0x78: {  	_ =	shalt  }
0x79: {  	_ =	shalt  }
0x7a: {  	_ =	shalt  }
0x7b: {  	_ =	shalt  }
0x7c: {  	_ =	shalt  }
0x7d: {  	_ =	shalt  }
0x7e: {  	_ =	shalt  }
0x7f: {  	_ =	shalt  }
0x80: {  	_ =	shalt  }
0x81: {  	_ =	shalt  }
0x82: {  	_ =	shalt  }
0x83: {  	_ =	shalt  }
0x84: {  	_ =	shalt  }
0x85: {  	_ =	shalt  }
0x86: {  	_ =	shalt  }
0x87: {  	_ =	shalt  }
.Lfunc_end0:
.L_simem_size_0:
called_computation_lowered:
.L_overlay_start_0:
0x88: {  	s2 =	sld [smem:$0x3FD9]  }
0x89: {  	s3 =	sld [smem:$0x3FFE];
	_ =	sdelay $0x1  }
0x8a: {  	s1 =	srdreg.scid  }
0x8b: {  	s0 =	sand.u32 $0x1, s1  }
0x8c: {  	s17 =	sshll.u32 s0, $0xA;
	s2 =	sadd.s32 s3, s2  }
0x8d: {  	s2 =	sadd.s32 s2, s17  }
0x8e: {  	[smem:$0x3FC3] =	sst s2  }
0x8f: {  	_ = 	snop  }
0x90: {  	s2 =	sld [smem:$0x3FD0];
	(tm) =	ssettm $0x1  }
0x91: {  	s18 =	sld [smem:$0x3FFB];
	_ =	sdelay $0x3  }
0x92: {  	_ =	strace s18  }
0x93: {  	s3 =	sld [smem:$0x3FFC];
	_ =	sdelay $0x3  }
0x94: {  	_ =	strace s3  }
0x95: {  	s3 =	sld [smem:$0x3FFD];
	_ =	sdelay $0x3  }
0x96: {  	_ =	strace s3  }
0x97: {  	_ =	strace $0x8FFFFFFF  }
0x98: {  	s19 =	sld [smem:$0x3FDB];
	_ =	sdelay $0x1  }
0x99: {  	s4 =	simm.s32 $_scs_section_size  }
0x9a: {  	s5 =	simm.s32 $_size__tile_overlayer_lowered;
	s6 =	simm.s32 $_tile_overlayer_lowered  }
0x9b: {  	s22 =	simm.s32 $0x1BFF;
	s21 =	sshll.u32 s6, $0x1;
	s3 =	sadd.s32 s4, s19  }
0x9c: {  	s7 =	simm.s32 $0x0;
	s20 =	sshll.u32 s5, $0x1;
	s5 =	sadd.s32 s21, s3  }
0x9d: {  	[timem:s7], [sflag:s22] =	dma.local [hbm:s5], s20  }
0x9e: {  	_ =	swait.ge [sflag:s22], s20  }
0x9f: {  	s4 =	ssub.s32 $0x0, s20;
	[sflag:s22] =	ssyncset.done $0x0  }
0xa0: {  	[sflag:s22] =	ssyncadd.s32 s4;
	_ =	sdelay $0x1  }
0xa1: {  	s23 =	simm.s32 $0x1B8B  }
0xa2: {  	_ =	swait.ge [sflag:s23], $0x1  }
0xa3: {  	[sflag:s23] =	ssyncset.done $0x0  }
0xa4: {  	s25 =	simm.s32 $0x1B8E;
	s24 =	sld [smem:$0x3FFE];
	[sflag:s23] =	ssyncadd.s32 $0xFFFFFFFF  }
0xa5: {  	s26 =	simm.s32 $execute0_lowered;
	[smem:$0x3FD2] =	sst s25  }
0xa6: {  	s5 =	sshll.u32 s26, $0x1;
	_ =	strace $0x80000046;
	[dreg:$0x1] =	wrdreg $0xFFFFFFFF  }
0xa7: {  	s28 =	simm.s32 $_size_execute0_lowered;
	s3 =	sadd.s32 s3, s5;
	[dreg:$0x0] =	wrdreg $0x0  }
0xa8: {  	s5 =	sshll.u32 s28, $0x1;
	[dreg:$0x2] =	wrdreg s3  }
0xa9: {  	[dreg:$0x3] =	wrdreg s5  }
0xaa: {  	[dreg:$0x4] =	wrdreg $0xC0  }
0xab: {  	_ =	task [dreg:s7], $0x5FFFF  }
0xac: {  	[dreg:$0x1] =	wrdreg $0xFFFFFFFF  }
0xad: {  	[dreg:$0x0] =	wrdreg $0x60  }
0xae: {  	[dreg:$0x2] =	wrdreg s24  }
0xaf: {  	[dreg:$0x3] =	wrdreg s2  }
0xb0: {  	[dreg:$0x4] =	wrdreg $0x9  }
0xb1: {  	_ =	task.clear_ibuf [dreg:s7], $0x5FFFF;
	_ =	strace $0x90000046  }
0xb2: {  	s29 =	simm.s32 $0x9;
	_ =	strace $0x80000048  }
0xb3: {  	_ =	swait.ge [sflag:s29], $0x1  }
0xb4: {  	[sflag:s29] =	ssyncadd.s32 $0xFFFFFFFF  }
0xb5: {  	_ =	strace $0x90000048  }
0xb6: {  	_ =	sfence  }
0xb7: {  	s30 =	sld [smem:$0x0];
	_ =	sdelay $0x2  }
0xb8: {  	s31 =	sshll.u32 s1, $0xD;
	s1 =	sshrl.u32 s1, $0x2  }
0xb9: {  	s3 =	sand.u32 $0x4000, s31;
	s1 =	sadd.s32 s1, s30  }
0xba: {  	s0 =	sor.u32 s3, s0;
	s1 =	sshll.u32 s1, $0x11  }
0xbb: {  	s0 =	sor.u32 s1, s0  }
0xbc: {  	s0 =	sadd.s32 $0x8F2B, s0  }
0xbd: {  	[sflag:s0] =	ssyncadd.remote.s32 $0x1  }
0xbe: {  	_ =	sfence.sel $0xFFFF  }
0xbf: {  	[dreg:$0x0] =	wrdreg $0xFFFFFFFF;
	(pc) =	sbr.abs _section_cstart, $3  }
0xc0: {  	[dreg:$0x1] =	wrdreg $0xFFFFFFFF  }
0xc1: {  	_ =	task.clear_ibuf [dreg:s7], $0x2FFFF;
	_ =	strace $0x9FFFFFFF  }
0xc2: {  	(tm) =	ssettm $0x7FFFFFFF  }
0xc3: {  	_ =	shalt  }
tec
execute0_lowered:
.L_overlay_start_1:
0x0: {  	(tag) =	ssettag $0x1  }
0x1: {  	s4 =	rddreg [dreg:$0x0]  }
0x2: {  	s5 =	rddreg [dreg:$0x1]  }
0x3: {  	s0 =	rddreg [dreg:$0x2];
	s2 =	simm.s32 $0x0  }
0x4: {  	s3 =	srdreg.scid;
	s1 =	stileid.u32;
	s10 =	simm.s32 $0xB580  }
0x5: {  	s11 =	simm.s32 $0xC280;
	s12 =	simm.s32 $0x1;
	s13 =	simm.s32 $0x20  }
0x6: {  	s15 =	simm.s32 $0x2;
	s16 =	simm.s32 $0x0;
	[smem:$0x7FF] =	sst s2  }
0x7: {  	s3 =	sand.u32 $0x1, s3;
	s6 =	sshll.u32 s1, $0x1;
	_ =	strace $0x80000047  }
.Ltmp0:
0x8: {  	s7 =	ssub.s32 $0x2, s3;
	s6 =	sor.u32 s3, s6;
	(pc) =	sbr.rel .LBB2_1-.Ltmp0, $4  }
0x9: {  	s3 =	sadd.s32 $0x600, s4;
	s8 =	sshrl.u32 s7, $0x1;
	s9 =	smul.u32 $0x1390, s6  }
0xa: {  	s4 =	sadd.s32 $0xA400, s4;
	s14 =	smul.u32 $0xFFFFFEC7, s6;
	s7 =	ssub.s32 s7, s8  }
0xb: {  	s8 =	simm.s32 $0x3;
	s5 =	sadd.s32 s5, s9;
	s6 =	smax.u32 s7, $0x1  }
0xc: {  	v1 =	vimm.s32 $0x7F627F62;
	v2 =	vimm.s32 $0x0;
	s7 =	simm.s32 $0x9C80;
	s9 =	simm.s32 $0xA900;
	v0 =	vmov s14;
	s14 =	simm.s32 $0xCF80  }
.LBB2_19:
0xd: {  	s16 =	sadd.s32 $0x1, s16  }
0xe: {  	p0 =	sne.s32 s16, s6  }
.Ltmp1:
0xf: {  	_ = 	snop;
	(pc) =	sbr.rel @!p0 .LBB2_20-.Ltmp1, $4  }
0x10: {  	[hbm4b:s5+s2] =	stream.linear.scatter [tilespmem:s2], [sflag:$0x3], $0x9C80, $0x38;
	[tilespmem:$0xEF80] =	vst v63  }
0x11: {  	_ =	swait.ge [sflag:s8], $0x9C80  }
0x12: {  	[sflag:s8] =	ssyncset.done $0x0  }
0x13: {  	[sflag:s8] =	ssyncadd.s32 $0xFFFF6380  }
.LBB2_1:
0x14: {  	s17 =	simm.s32 $0x40;
	s18 =	simm.s32 $0x0  }
.LBB2_2:
0x15: {  	p0 =	sne.s32 s17, $0x271C0;
	[tilespmem:s18+$0x0] =	vst v1;
	s18 =	smov.u32 s17;
	s17 =	sadd.s32 $0x40, s17  }
.Ltmp2:
0x16: {  	(pc) =	sbr.rel @p0 .LBB2_2-.Ltmp2, $2  }
0x17: {  	_ =	sdelay $0x2  }
0x18: {  	s18 =	sshra.s32 s18, $0x2  }
0x19: {  	[tilespmem:s18+$0x0] =	vst v1;
	s17 =	simm.s32 $0x0;
	s18 =	simm.s32 $0x40;
	s19 =	simm.s32 $0x0  }
.LBB2_4:
0x1a: {  	p0 =	sne.s32 s18, $0x3200;
	[tilespmem:s19+$0xB580] =	vst v2;
	s19 =	smov.u32 s18;
	s18 =	sadd.s32 $0x40, s18  }
.Ltmp3:
0x1b: {  	(pc) =	sbr.rel @p0 .LBB2_4-.Ltmp3, $2  }
0x1c: {  	_ =	sdelay $0x2  }
0x1d: {  	s19 =	sshra.s32 s19, $0x2  }
.Ltmp4:
0x1e: {  	(pc) =	sbr.rel .LBB2_6-.Ltmp4, $2  }
0x1f: {  	_ =	sdelay $0x2  }
0x20: {  	[tilespmem:s19+$0xB580] =	vst v2  }
.LBB2_18:
0x21: {  	s17 =	sadd.s32 $0x1, s17  }
0x22: {  	p0 =	sne.s32 s17, $0x32  }
.Ltmp5:
0x23: {  	_ = 	snop;
	(pc) =	sbr.rel @!p0 .LBB2_19-.Ltmp5, $1  }
0x24: {  	_ =	sdelay $0x3  }
.LBB2_6:
0x25: {  	s18 =	smul.u32 $0xC80, s17;
	_ =	sdelay $0x1  }
0x26: {  	s18 =	sshrl.u32 s18, $0x3  }
0x27: {  	s19 =	sadd.s32 s3, s18;
	s18 =	simm.s32 $0x0  }
0x28: {  	[tilespmem:s7], [sflag:$0x3] =	stream.linear.gather [hbm4b:s19+s18], $0xC80, $0x38;
	[tilespmem:$0xEF80] =	vst v63  }
0x29: {  	_ =	swait.ge [sflag:s8], $0xC80  }
0x2a: {  	[sflag:s8] =	ssyncset.done $0x0  }
0x2b: {  	s19 =	sadd.s32 $0x4E20, s19;
	[sflag:s8] =	ssyncadd.s32 $0xFFFFF380  }
0x2c: {  	[tilespmem:s9], [sflag:$0x3] =	stream.linear.gather [hbm4b:s19+s18], $0xC80, $0x38;
	[tilespmem:$0xEF80] =	vst v63  }
0x2d: {  	_ =	swait.ge [sflag:s8], $0xC80  }
0x2e: {  	[sflag:s8] =	ssyncset.done $0x0  }
0x2f: {  	s31 =	simm.s32 $0x0;
	[sflag:s8] =	ssyncadd.s32 $0xFFFFF380  }
0x30: {  	v3 =	vld [tilespmem:s31+$0xA900];
	_ =	sdelay $0x4  }
0x31: {  	v3 =	vadd.s32 v0, v3  }
0x32: {  	vm0 =	vlt.u32 v3, $0x139  }
0x33: {  	v4 =	vsel vm0, $0x1, v2  }
0x34: {  	(xrf0) =	vadd.scan.msk.s32 $0xffff, v4;
	_ =	sdelay $0x2  }
0x35: {  	v63 =	vmov s18  }
0x36: {  	v4 =	vadd.s32 $0xFFFFFFFF, v63  }
0x37: {  	v4 =	vbroadcast v4, $0x0  }
0x38: {  	v5, _, _ =	vpop (xrf0)  }
0x39: {  	v6 =	vld [tilespmem:s31+$0x9C80];
	v4 =	vadd.s32 v5, v4;
	(v2sf) =	vpush v5, $0xF;
	_ =	sdelay $0x4  }
0x3a: {  	[tilespmem:v4+s10+$0x0] =	vst.idx.msk vm0, v6  }
0x3b: {  	s20 =	simm.s32 $0x80;
	s19 =	simm.s32 $0x10;
	[tilespmem:v4+s11+$0x0] =	vst.idx.msk vm0, v3  }
.LBB2_7:
0x3c: {  	p0 =	sne.s32 s20, $0x31C0;
	v3 =	vld [tilespmem:s19+$0xA900];
	_ =	sdelay $0x4  }
0x3d: {  	v3 =	vadd.s32 v0, v3  }
0x3e: {  	vm0 =	vlt.u32 v3, $0x139  }
0x3f: {  	v4 =	vsel vm0, $0x1, v2  }
0x40: {  	(xrf0) =	vadd.scan.msk.s32 $0xffff, v4;
	s21 =	spop (v2sf)  }
0x41: {  	s18 =	sadd.s32 s18, s21  }
0x42: {  	v4 =	vmov s18  }
0x43: {  	v4 =	vadd.s32 $0xFFFFFFFF, v4  }
0x44: {  	v4 =	vbroadcast v4, $0x0;
	_ =	sdelay $0x1  }
0x45: {  	v5, _, _ =	vpop (xrf0)  }
0x46: {  	v6 =	vld [tilespmem:s19+$0x9C80];
	v4 =	vadd.s32 v5, v4;
	(v2sf) =	vpush v5, $0xF;
	_ =	sdelay $0x1  }
.Ltmp6:
0x47: {  	(pc) =	sbr.rel @p0 .LBB2_7-.Ltmp6, $3  }
0x48: {  	_ =	sdelay $0x1  }
0x49: {  	[tilespmem:v4+s10+$0x0] =	vst.idx.msk vm0, v6  }
0x4a: {  	s19 =	sshra.s32 s20, $0x2;
	s20 =	sadd.s32 $0x40, s20;
	[tilespmem:v4+s11+$0x0] =	vst.idx.msk vm0, v3  }
0x4b: {  	v3 =	vld [tilespmem:s19+$0xA900];
	_ =	sdelay $0x4  }
0x4c: {  	v3 =	vadd.s32 v0, v3  }
0x4d: {  	vm0 =	vlt.u32 v3, $0x139  }
0x4e: {  	v4 =	vsel vm0, $0x1, v2  }
0x4f: {  	(xrf0) =	vadd.scan.msk.s32 $0xffff, v4;
	_ =	sdelay $0x5  }
0x50: {  	v4, _, _ =	vpop (xrf0)  }
0x51: {  	(v2sf) =	vpush v4, $0xF;
	_ =	sdelay $0xd  }
0x52: {  	s20 =	spop (v2sf)  }
0x53: {  	s18 =	sadd.s32 s18, s20;
	s30 =	spop (v2sf)  }
0x54: {  	v5 =	vmov s18;
	s18 =	sadd.s32 s18, s30  }
0x55: {  	s20 =	sadd.s32 $0x1F, s18  }
0x56: {  	s21 =	sand.u32 $0x1F, s20  }
0x57: {  	s31 =	sshra.s32 s20, $0x1F;
	p1 =	slt.s32 s20, $0x1;
	p0 =	sne.s32 s21, $0x0  }
0x58: {  	v6 =	vld [tilespmem:s19+$0x9C80];
	v5 =	vadd.s32 $0xFFFFFFFF, v5;
	s19 =	sshrl.u32 s31, $0x1B;
	p0 =	por !p1, !p0  }
0x59: {  	v5 =	vbroadcast v5, $0x0;
	s19 =	sadd.s32 s19, s20;
	s20 =	simm.s32 $0x1;
	p0 =	por !p0, !p0  }
0x5a: {  	s19 =	sshra.s32 s19, $0x5;
	s20 =	simm.s32 @!p0 $0x0  }
0x5b: {  	v4 =	vadd.s32 v4, v5;
	s19 =	ssub.s32 s19, s20  }
0x5c: {  	p0 =	slt.s32 s19, $0x1  }
.Ltmp7:
0x5d: {  	_ = 	snop;
	(pc) =	sbr.rel @p0 .LBB2_18-.Ltmp7, $3  }
0x5e: {  	_ =	sdelay $0x1  }
0x5f: {  	[tilespmem:v4+s10+$0x0] =	vst.idx.msk vm0, v6  }
0x60: {  	[tilespmem:v4+s11+$0x0] =	vst.idx.msk vm0, v3  }
.Ltmp8:
0x61: {  	(pc) =	sbr.rel .LBB2_10-.Ltmp8, $3  }
0x62: {  	_ =	sdelay $0x1  }
0x63: {  	[tilespmem:s14], [sflag:$0x1] =	stream.indirect.gather [hbm4b:s4+s13], $0x80, s10, s13, $0xb8;
	[tilespmem:$0xEF80] =	vst v63  }
0x64: {  	s23 =	simm.s32 $0x0  }
.LBB2_17:
0x65: {  	p0 =	sne.s32 s20, s19  }
.Ltmp9:
0x66: {  	_ = 	snop;
	(pc) =	sbr.rel @!p0 .LBB2_18-.Ltmp9, $2  }
0x67: {  	_ =	sdelay $0x2  }
0x68: {  	s23 =	smov.u32 s20  }
.LBB2_10:
0x69: {  	s24 =	sand.u32 $0x1, s23  }
0x6a: {  	p0 =	seq.s32 s24, $0x1  }
.Ltmp10:
0x6b: {  	_ = 	snop;
	(pc) =	sbr.rel @p0 .LBB2_14-.Ltmp10, $3  }
0x6c: {  	_ =	sdelay $0x1  }
0x6d: {  	s22 =	sshll.u32 s23, $0x5  }
0x6e: {  	s21 =	ssub.s32 s18, s22  }
0x6f: {  	s20 =	sor.u32 $0x1, s23  }
0x70: {  	_ =	swait.ge [sflag:s12], $0x1000;
	p0 =	sge.s32 s20, s19  }
0x71: {  	[sflag:s12] =	ssyncset.done $0x0;
	s25 =	sshll.u32 @!p0 s20, $0x7  }
0x72: {  	[sflag:s12] =	ssyncadd.s32 $0xFFFFF000;
	s25 =	sshra.s32 @!p0 s25, $0x2  }
0x73: {  	s26 =	simm.s32 @!p0 $0x20;
	s28 =	simm.s32 @!p0 $0xDF80;
	s25 =	sadd.s32 @!p0 $0xB580, s25  }
0x74: {  	[tilespmem:s28], [sflag:$0x2] =	stream.indirect.gather @!p0 [hbm4b:s4+s26], $0x80, s25, s26, $0xb8;
	[tilespmem:$0xEF80] =	vst v63  }
0x75: {  	s25 =	sadd.s32 $0xC280, s22;
	p0 =	sle.s32 s21, $0x0  }
0x76: {  	v3 =	vld @!p0 [tilespmem:s25+$0x0];
	_ =	sdelay $0x4  }
0x77: {  	(v2sf) =	vpush @!p0 v3, $0x0;
	_ =	sdelay $0xe  }
0x78: {  	s26 =	spop @!p0 (v2sf)  }
0x79: {  	s28 =	simm.s32 $0xCFC0;
	s26 =	sshll.u32 @!p0 s26, $0x9  }
0x7a: {  	v3 =	vld @!p0 [tilespmem:s28+$0xFFFFFFC0];
	s30 =	sshra.s32 @!p0 s26, $0x2  }
0x7b: {  	v4 =	vld @!p0 [tilespmem:s30+$0x0];
	_ =	sdelay $0x4  }
0x7c: {  	v3 =	vmin.bf16 @!p0 v4, v3  }
0x7d: {  	[tilespmem:s30+$0x0] =	vst @!p0 v3;
	v3 =	vld @!p0 [tilespmem:s30+$0x10]  }
0x7e: {  	v4 =	vld @!p0 [tilespmem:s28+$0xFFFFFFD0];
	_ =	sdelay $0x4  }
0x7f: {  	v3 =	vmin.bf16 @!p0 v3, v4  }
0x80: {  	[tilespmem:s30+$0x10] =	vst @!p0 v3;
	v3 =	vld @!p0 [tilespmem:s30+$0x20]  }
0x81: {  	v4 =	vld @!p0 [tilespmem:s28+$0xFFFFFFE0];
	_ =	sdelay $0x4  }
0x82: {  	v3 =	vmin.bf16 @!p0 v3, v4  }
0x83: {  	[tilespmem:s30+$0x20] =	vst @!p0 v3;
	v3 =	vld @!p0 [tilespmem:s30+$0x30]  }
0x84: {  	v4 =	vld @!p0 [tilespmem:s28+$0xFFFFFFF0];
	_ =	sdelay $0x4  }
0x85: {  	v3 =	vmin.bf16 @!p0 v3, v4  }
0x86: {  	[tilespmem:s30+$0x30] =	vst @!p0 v3;
	v3 =	vld @!p0 [tilespmem:s30+$0x40]  }
0x87: {  	v4 =	vld @!p0 [tilespmem:s28+$0x0];
	_ =	sdelay $0x4  }
0x88: {  	v3 =	vmin.bf16 @!p0 v3, v4  }
0x89: {  	[tilespmem:s30+$0x40] =	vst @!p0 v3;
	v3 =	vld @!p0 [tilespmem:s30+$0x50]  }
0x8a: {  	v4 =	vld @!p0 [tilespmem:s28+$0x10];
	_ =	sdelay $0x4  }
0x8b: {  	v3 =	vmin.bf16 @!p0 v3, v4  }
0x8c: {  	[tilespmem:s30+$0x50] =	vst @!p0 v3;
	v3 =	vld @!p0 [tilespmem:s30+$0x60]  }
0x8d: {  	v4 =	vld @!p0 [tilespmem:s28+$0x20];
	_ =	sdelay $0x4  }
0x8e: {  	v3 =	vmin.bf16 @!p0 v3, v4  }
0x8f: {  	[tilespmem:s30+$0x60] =	vst @!p0 v3;
	v3 =	vld @!p0 [tilespmem:s30+$0x70]  }
0x90: {  	v4 =	vld @!p0 [tilespmem:s28+$0x30];
	_ =	sdelay $0x4  }
0x91: {  	s29 =	simm.s32 $0x2;
	s26 =	simm.s32 $0xD040;
	s28 =	simm.s32 $0x1;
	v3 =	vmin.bf16 @!p0 v3, v4  }
.LBB2_12:
0x92: {  	[tilespmem:s30+$0x70] =	vst @!p0 v3;
	p0 =	sge.s32 s28, s21  }
0x93: {  	s25 =	sadd.s32 $0x1, s25;
	s28 =	smov.u32 s29;
	s29 =	sadd.s32 $0x1, s29  }
0x94: {  	p1 =	sne.s32 s29, $0x20;
	v3 =	vld @!p0 [tilespmem:s25+$0x0];
	_ =	sdelay $0x4  }
0x95: {  	(v2sf) =	vpush @!p0 v3, $0x0;
	_ =	sdelay $0xe  }
0x96: {  	s30 =	spop @!p0 (v2sf)  }
0x97: {  	s30 =	sshll.u32 @!p0 s30, $0x9  }
0x98: {  	v3 =	vld @!p0 [tilespmem:s26+$0xFFFFFFC0];
	s30 =	sshra.s32 @!p0 s30, $0x2  }
0x99: {  	v4 =	vld @!p0 [tilespmem:s30+$0x0];
	_ =	sdelay $0x4  }
0x9a: {  	v3 =	vmin.bf16 @!p0 v4, v3  }
0x9b: {  	[tilespmem:s30+$0x0] =	vst @!p0 v3;
	v3 =	vld @!p0 [tilespmem:s30+$0x10]  }
0x9c: {  	v4 =	vld @!p0 [tilespmem:s26+$0xFFFFFFD0];
	_ =	sdelay $0x4  }
0x9d: {  	v3 =	vmin.bf16 @!p0 v3, v4  }
0x9e: {  	[tilespmem:s30+$0x10] =	vst @!p0 v3;
	v3 =	vld @!p0 [tilespmem:s30+$0x20]  }
0x9f: {  	v4 =	vld @!p0 [tilespmem:s26+$0xFFFFFFE0];
	_ =	sdelay $0x4  }
0xa0: {  	v3 =	vmin.bf16 @!p0 v3, v4  }
0xa1: {  	[tilespmem:s30+$0x20] =	vst @!p0 v3;
	v3 =	vld @!p0 [tilespmem:s30+$0x30]  }
0xa2: {  	v4 =	vld @!p0 [tilespmem:s26+$0xFFFFFFF0];
	_ =	sdelay $0x4  }
0xa3: {  	v3 =	vmin.bf16 @!p0 v3, v4  }
0xa4: {  	[tilespmem:s30+$0x30] =	vst @!p0 v3;
	v3 =	vld @!p0 [tilespmem:s30+$0x40]  }
0xa5: {  	v4 =	vld @!p0 [tilespmem:s26+$0x0];
	_ =	sdelay $0x4  }
0xa6: {  	v3 =	vmin.bf16 @!p0 v3, v4  }
0xa7: {  	[tilespmem:s30+$0x40] =	vst @!p0 v3;
	v3 =	vld @!p0 [tilespmem:s30+$0x50]  }
0xa8: {  	v4 =	vld @!p0 [tilespmem:s26+$0x10];
	_ =	sdelay $0x4  }
0xa9: {  	v3 =	vmin.bf16 @!p0 v3, v4  }
0xaa: {  	[tilespmem:s30+$0x50] =	vst @!p0 v3;
	v3 =	vld @!p0 [tilespmem:s30+$0x60]  }
0xab: {  	v4 =	vld @!p0 [tilespmem:s26+$0x20];
	_ =	sdelay $0x4  }
0xac: {  	v3 =	vmin.bf16 @!p0 v3, v4  }
0xad: {  	[tilespmem:s30+$0x60] =	vst @!p0 v3;
	v3 =	vld @!p0 [tilespmem:s30+$0x70]  }
0xae: {  	v4 =	vld @!p0 [tilespmem:s26+$0x30]  }
.Ltmp11:
0xaf: {  	(pc) =	sbr.rel @p1 .LBB2_12-.Ltmp11, $2  }
0xb0: {  	_ =	sdelay $0x2  }
0xb1: {  	s26 =	sadd.s32 $0x80, s26;
	v3 =	vmin.bf16 @!p0 v3, v4  }
0xb2: {  	p1 =	sge.s32 s28, s21;
	[tilespmem:s30+$0x70] =	vst @!p0 v3;
	s25 =	sadd.s32 $0x1, s25  }
0xb3: {  	v3 =	vld @!p1 [tilespmem:s25+$0x0];
	_ =	sdelay $0x4  }
0xb4: {  	(v2sf) =	vpush @!p1 v3, $0x0;
	_ =	sdelay $0xe  }
0xb5: {  	s25 =	spop @!p1 (v2sf)  }
0xb6: {  	s25 =	sshll.u32 @!p1 s25, $0x9  }
0xb7: {  	v3 =	vld @!p1 [tilespmem:s26+$0xFFFFFFC0];
	s25 =	sshra.s32 @!p1 s25, $0x2  }
0xb8: {  	v4 =	vld @!p1 [tilespmem:s25+$0x0];
	_ =	sdelay $0x4  }
0xb9: {  	v3 =	vmin.bf16 @!p1 v4, v3  }
0xba: {  	[tilespmem:s25+$0x0] =	vst @!p1 v3;
	v3 =	vld @!p1 [tilespmem:s25+$0x10]  }
0xbb: {  	v4 =	vld @!p1 [tilespmem:s26+$0xFFFFFFD0];
	_ =	sdelay $0x4  }
0xbc: {  	v3 =	vmin.bf16 @!p1 v3, v4  }
0xbd: {  	[tilespmem:s25+$0x10] =	vst @!p1 v3;
	v3 =	vld @!p1 [tilespmem:s25+$0x20]  }
0xbe: {  	v4 =	vld @!p1 [tilespmem:s26+$0xFFFFFFE0];
	_ =	sdelay $0x4  }
0xbf: {  	v3 =	vmin.bf16 @!p1 v3, v4  }
0xc0: {  	[tilespmem:s25+$0x20] =	vst @!p1 v3;
	v3 =	vld @!p1 [tilespmem:s25+$0x30]  }
0xc1: {  	v4 =	vld @!p1 [tilespmem:s26+$0xFFFFFFF0];
	_ =	sdelay $0x4  }
0xc2: {  	v3 =	vmin.bf16 @!p1 v3, v4  }
0xc3: {  	[tilespmem:s25+$0x30] =	vst @!p1 v3;
	v3 =	vld @!p1 [tilespmem:s25+$0x40]  }
0xc4: {  	v4 =	vld @!p1 [tilespmem:s26+$0x0];
	_ =	sdelay $0x4  }
0xc5: {  	v3 =	vmin.bf16 @!p1 v3, v4  }
0xc6: {  	[tilespmem:s25+$0x40] =	vst @!p1 v3;
	v3 =	vld @!p1 [tilespmem:s25+$0x50]  }
0xc7: {  	v4 =	vld @!p1 [tilespmem:s26+$0x10];
	_ =	sdelay $0x4  }
0xc8: {  	v3 =	vmin.bf16 @!p1 v3, v4  }
0xc9: {  	[tilespmem:s25+$0x50] =	vst @!p1 v3;
	v3 =	vld @!p1 [tilespmem:s25+$0x60]  }
0xca: {  	v4 =	vld @!p1 [tilespmem:s26+$0x20];
	_ =	sdelay $0x4  }
0xcb: {  	v3 =	vmin.bf16 @!p1 v3, v4  }
0xcc: {  	[tilespmem:s25+$0x60] =	vst @!p1 v3;
	v3 =	vld @!p1 [tilespmem:s25+$0x70]  }
0xcd: {  	v4 =	vld @!p1 [tilespmem:s26+$0x30]  }
0xce: {  	p0 =	seq.s32 s24, $0x0  }
.Ltmp12:
0xcf: {  	_ = 	snop;
	(pc) =	sbr.rel @p0 .LBB2_17-.Ltmp12, $3  }
0xd0: {  	_ =	sdelay $0x1  }
0xd1: {  	v3 =	vmin.bf16 @!p1 v3, v4  }
0xd2: {  	[tilespmem:s25+$0x70] =	vst @!p1 v3  }
.LBB2_14:
0xd3: {  	s20 =	sadd.s32 $0x1, s23  }
0xd4: {  	_ =	swait.ge [sflag:s15], $0x1000;
	p0 =	sge.s32 s20, s19  }
0xd5: {  	[sflag:s15] =	ssyncset.done $0x0;
	s23 =	sshll.u32 @!p0 s20, $0x7  }
0xd6: {  	[sflag:s15] =	ssyncadd.s32 $0xFFFFF000;
	s23 =	sshra.s32 @!p0 s23, $0x2  }
0xd7: {  	s24 =	simm.s32 @!p0 $0x20;
	s25 =	simm.s32 @!p0 $0xCF80;
	s23 =	sadd.s32 @!p0 $0xB580, s23  }
0xd8: {  	[tilespmem:s25], [sflag:$0x1] =	stream.indirect.gather @!p0 [hbm4b:s4+s24], $0x80, s23, s24, $0xb8;
	[tilespmem:$0xEF80] =	vst v63  }
0xd9: {  	s22 =	sadd.s32 $0xC280, s22;
	p0 =	sle.s32 s21, $0x0  }
0xda: {  	v3 =	vld @!p0 [tilespmem:s22+$0x0];
	_ =	sdelay $0x4  }
0xdb: {  	(v2sf) =	vpush @!p0 v3, $0x0;
	_ =	sdelay $0xe  }
0xdc: {  	s23 =	spop @!p0 (v2sf)  }
0xdd: {  	s24 =	simm.s32 $0xDFF0;
	s23 =	sshll.u32 @!p0 s23, $0x9  }
0xde: {  	v3 =	vld @!p0 [tilespmem:s24+$0xFFFFFF90];
	s26 =	sshra.s32 @!p0 s23, $0x2  }
0xdf: {  	v4 =	vld @!p0 [tilespmem:s26+$0x0];
	_ =	sdelay $0x4  }
0xe0: {  	v3 =	vmin.bf16 @!p0 v4, v3  }
0xe1: {  	[tilespmem:s26+$0x0] =	vst @!p0 v3;
	v3 =	vld @!p0 [tilespmem:s26+$0x10]  }
0xe2: {  	v4 =	vld @!p0 [tilespmem:s24+$0xFFFFFFA0];
	_ =	sdelay $0x4  }
0xe3: {  	v3 =	vmin.bf16 @!p0 v3, v4  }
0xe4: {  	[tilespmem:s26+$0x10] =	vst @!p0 v3;
	v3 =	vld @!p0 [tilespmem:s26+$0x20]  }
0xe5: {  	v4 =	vld @!p0 [tilespmem:s24+$0xFFFFFFB0];
	_ =	sdelay $0x4  }
0xe6: {  	v3 =	vmin.bf16 @!p0 v3, v4  }
0xe7: {  	[tilespmem:s26+$0x20] =	vst @!p0 v3;
	v3 =	vld @!p0 [tilespmem:s26+$0x30]  }
0xe8: {  	v4 =	vld @!p0 [tilespmem:s24+$0xFFFFFFC0];
	_ =	sdelay $0x4  }
0xe9: {  	v3 =	vmin.bf16 @!p0 v3, v4  }
0xea: {  	[tilespmem:s26+$0x30] =	vst @!p0 v3;
	v3 =	vld @!p0 [tilespmem:s26+$0x40]  }
0xeb: {  	v4 =	vld @!p0 [tilespmem:s24+$0xFFFFFFD0];
	_ =	sdelay $0x4  }
0xec: {  	v3 =	vmin.bf16 @!p0 v3, v4  }
0xed: {  	[tilespmem:s26+$0x40] =	vst @!p0 v3;
	v3 =	vld @!p0 [tilespmem:s26+$0x50]  }
0xee: {  	v4 =	vld @!p0 [tilespmem:s24+$0xFFFFFFE0];
	_ =	sdelay $0x4  }
0xef: {  	v3 =	vmin.bf16 @!p0 v3, v4  }
0xf0: {  	[tilespmem:s26+$0x50] =	vst @!p0 v3;
	v3 =	vld @!p0 [tilespmem:s26+$0x60]  }
0xf1: {  	v4 =	vld @!p0 [tilespmem:s24+$0xFFFFFFF0];
	_ =	sdelay $0x4  }
0xf2: {  	v3 =	vmin.bf16 @!p0 v3, v4  }
0xf3: {  	[tilespmem:s26+$0x60] =	vst @!p0 v3;
	v3 =	vld @!p0 [tilespmem:s26+$0x70]  }
0xf4: {  	v4 =	vld @!p0 [tilespmem:s24+$0x0];
	_ =	sdelay $0x4  }
0xf5: {  	s25 =	simm.s32 $0x2;
	s23 =	simm.s32 $0xE070;
	s24 =	simm.s32 $0x1;
	v3 =	vmin.bf16 @!p0 v3, v4  }
.LBB2_15:
0xf6: {  	[tilespmem:s26+$0x70] =	vst @!p0 v3;
	p0 =	sge.s32 s24, s21  }
0xf7: {  	s22 =	sadd.s32 $0x1, s22;
	s24 =	smov.u32 s25;
	s25 =	sadd.s32 $0x1, s25  }
0xf8: {  	p1 =	sne.s32 s25, $0x20;
	v3 =	vld @!p0 [tilespmem:s22+$0x0];
	_ =	sdelay $0x4  }
0xf9: {  	(v2sf) =	vpush @!p0 v3, $0x0;
	_ =	sdelay $0xe  }
0xfa: {  	s26 =	spop @!p0 (v2sf)  }
0xfb: {  	s26 =	sshll.u32 @!p0 s26, $0x9  }
0xfc: {  	v3 =	vld @!p0 [tilespmem:s23+$0xFFFFFF90];
	s26 =	sshra.s32 @!p0 s26, $0x2  }
0xfd: {  	v4 =	vld @!p0 [tilespmem:s26+$0x0];
	_ =	sdelay $0x4  }
0xfe: {  	v3 =	vmin.bf16 @!p0 v4, v3  }
0xff: {  	[tilespmem:s26+$0x0] =	vst @!p0 v3;
	v3 =	vld @!p0 [tilespmem:s26+$0x10]  }
0x100: {  	v4 =	vld @!p0 [tilespmem:s23+$0xFFFFFFA0];
	_ =	sdelay $0x4  }
0x101: {  	v3 =	vmin.bf16 @!p0 v3, v4  }
0x102: {  	[tilespmem:s26+$0x10] =	vst @!p0 v3;
	v3 =	vld @!p0 [tilespmem:s26+$0x20]  }
0x103: {  	v4 =	vld @!p0 [tilespmem:s23+$0xFFFFFFB0];
	_ =	sdelay $0x4  }
0x104: {  	v3 =	vmin.bf16 @!p0 v3, v4  }
0x105: {  	[tilespmem:s26+$0x20] =	vst @!p0 v3;
	v3 =	vld @!p0 [tilespmem:s26+$0x30]  }
0x106: {  	v4 =	vld @!p0 [tilespmem:s23+$0xFFFFFFC0];
	_ =	sdelay $0x4  }
0x107: {  	v3 =	vmin.bf16 @!p0 v3, v4  }
0x108: {  	[tilespmem:s26+$0x30] =	vst @!p0 v3;
	v3 =	vld @!p0 [tilespmem:s26+$0x40]  }
0x109: {  	v4 =	vld @!p0 [tilespmem:s23+$0xFFFFFFD0];
	_ =	sdelay $0x4  }
0x10a: {  	v3 =	vmin.bf16 @!p0 v3, v4  }
0x10b: {  	[tilespmem:s26+$0x40] =	vst @!p0 v3;
	v3 =	vld @!p0 [tilespmem:s26+$0x50]  }
0x10c: {  	v4 =	vld @!p0 [tilespmem:s23+$0xFFFFFFE0];
	_ =	sdelay $0x4  }
0x10d: {  	v3 =	vmin.bf16 @!p0 v3, v4  }
0x10e: {  	[tilespmem:s26+$0x50] =	vst @!p0 v3;
	v3 =	vld @!p0 [tilespmem:s26+$0x60]  }
0x10f: {  	v4 =	vld @!p0 [tilespmem:s23+$0xFFFFFFF0];
	_ =	sdelay $0x4  }
0x110: {  	v3 =	vmin.bf16 @!p0 v3, v4  }
0x111: {  	[tilespmem:s26+$0x60] =	vst @!p0 v3;
	v3 =	vld @!p0 [tilespmem:s26+$0x70]  }
0x112: {  	v4 =	vld @!p0 [tilespmem:s23+$0x0]  }
.Ltmp13:
0x113: {  	(pc) =	sbr.rel @p1 .LBB2_15-.Ltmp13, $2  }
0x114: {  	_ =	sdelay $0x2  }
0x115: {  	s23 =	sadd.s32 $0x80, s23;
	v3 =	vmin.bf16 @!p0 v3, v4  }
0x116: {  	p1 =	sge.s32 s24, s21;
	[tilespmem:s26+$0x70] =	vst @!p0 v3;
	s21 =	sadd.s32 $0x1, s22  }
0x117: {  	v3 =	vld @!p1 [tilespmem:s21+$0x0];
	_ =	sdelay $0x4  }
0x118: {  	(v2sf) =	vpush @!p1 v3, $0x0;
	_ =	sdelay $0xe  }
0x119: {  	s21 =	spop @!p1 (v2sf)  }
0x11a: {  	s21 =	sshll.u32 @!p1 s21, $0x9  }
0x11b: {  	v3 =	vld @!p1 [tilespmem:s23+$0xFFFFFF90];
	s21 =	sshra.s32 @!p1 s21, $0x2  }
0x11c: {  	v4 =	vld @!p1 [tilespmem:s21+$0x0];
	_ =	sdelay $0x4  }
0x11d: {  	v3 =	vmin.bf16 @!p1 v4, v3  }
0x11e: {  	[tilespmem:s21+$0x0] =	vst @!p1 v3;
	v3 =	vld @!p1 [tilespmem:s21+$0x10]  }
0x11f: {  	v4 =	vld @!p1 [tilespmem:s23+$0xFFFFFFA0];
	_ =	sdelay $0x4  }
0x120: {  	v3 =	vmin.bf16 @!p1 v3, v4  }
0x121: {  	[tilespmem:s21+$0x10] =	vst @!p1 v3;
	v3 =	vld @!p1 [tilespmem:s21+$0x20]  }
0x122: {  	v4 =	vld @!p1 [tilespmem:s23+$0xFFFFFFB0];
	_ =	sdelay $0x4  }
0x123: {  	v3 =	vmin.bf16 @!p1 v3, v4  }
0x124: {  	[tilespmem:s21+$0x20] =	vst @!p1 v3;
	v3 =	vld @!p1 [tilespmem:s21+$0x30]  }
0x125: {  	v4 =	vld @!p1 [tilespmem:s23+$0xFFFFFFC0];
	_ =	sdelay $0x4  }
0x126: {  	v3 =	vmin.bf16 @!p1 v3, v4  }
0x127: {  	[tilespmem:s21+$0x30] =	vst @!p1 v3;
	v3 =	vld @!p1 [tilespmem:s21+$0x40]  }
0x128: {  	v4 =	vld @!p1 [tilespmem:s23+$0xFFFFFFD0];
	_ =	sdelay $0x4  }
0x129: {  	v3 =	vmin.bf16 @!p1 v3, v4  }
0x12a: {  	[tilespmem:s21+$0x40] =	vst @!p1 v3;
	v3 =	vld @!p1 [tilespmem:s21+$0x50]  }
0x12b: {  	v4 =	vld @!p1 [tilespmem:s23+$0xFFFFFFE0];
	_ =	sdelay $0x4  }
0x12c: {  	v3 =	vmin.bf16 @!p1 v3, v4  }
0x12d: {  	[tilespmem:s21+$0x50] =	vst @!p1 v3;
	v3 =	vld @!p1 [tilespmem:s21+$0x60]  }
0x12e: {  	v4 =	vld @!p1 [tilespmem:s23+$0xFFFFFFF0];
	_ =	sdelay $0x4  }
0x12f: {  	v3 =	vmin.bf16 @!p1 v3, v4  }
0x130: {  	[tilespmem:s21+$0x60] =	vst @!p1 v3;
	v3 =	vld @!p1 [tilespmem:s21+$0x70]  }
0x131: {  	v4 =	vld @!p1 [tilespmem:s23+$0x0];
	_ =	sdelay $0x1  }
.Ltmp14:
0x132: {  	_ = 	snop;
	(pc) =	sbr.rel .LBB2_17-.Ltmp14, $3  }
0x133: {  	_ =	sdelay $0x1  }
0x134: {  	v3 =	vmin.bf16 @!p1 v3, v4  }
0x135: {  	[tilespmem:s21+$0x70] =	vst @!p1 v3  }
.LBB2_20:
0x136: {  	_ =	sfence.sel $0x180000  }
0x137: {  	[bflag:$0x0] =	sbarrier.arrive $0xFFFF  }
0x138: {  	p0 =	sne.s32 s1, $0x0;
	_ =	strace $0x90000047  }
0x139: {  	s0 =	sadd.s32 @!p0 $0x100000, s0;
	[bflag:$0x2] =	sbarrier.arrive $0xFFFF  }
0x13a: {  	[sflag:s0] =	ssyncadd.tile.s32 @!p0 $0x1;
	_ =	shalt  }
.Lfunc_end2:
_tile_overlayer_lowered:
.L_overlay_start_2:
0x13b: {  	(tag) =	ssettag $0x2  }
0x13c: {  	s0 =	rddreg [dreg:$0x0];
	s2 =	stileid.u32  }
0x13d: {  	s1 =	rddreg [dreg:$0x1];
	p0 =	sne.s32 s2, $0x0  }
0x13e: {  	s3 =	rddreg [dreg:$0x2];
	[bflag:$0x3] =	sbarrier.arrive $0xFFFF;
	s2 =	simm.s32 @!p0 $0x1C03  }
0x13f: {  	[timem:s3], [sflag:s2] =	dma.local @!p0 [hbm:s0], s1  }
0x140: {  	s0 =	simm.s32 @!p0 $0x3  }
0x141: {  	_ =	swait.ge @!p0 [sflag:s0], s1  }
0x142: {  	s1 =	ssub.s32 @!p0 $0x0, s1;
	[sflag:s0] =	ssyncset.done @!p0 $0x0  }
0x143: {  	[sflag:s0] =	ssyncadd.s32 @!p0 s1  }
0x144: {  	[bflag:$0x3] =	sbarrier.arrive $0xFFFF  }
0x145: {  	_ =	shalt  }

</sc_bundles>
